<compile_context>
chip_gen: v7x
topology: tpu7x:2x2x1
jax: 0.10.2.dev20260603
libtpu: 0.0.44.dev20260713+nightly
codegen_flags: <defaults>
</compile_context>

<pallas_src>
import jax
import jax.numpy as jnp
from jax import lax
from jax.experimental import pallas as pl
from jax.experimental.pallas import tpu as pltpu
from jax.experimental.pallas import tpu_sc as plsc

N_NODES = 10000
N_EDGES = 320000
D = 128
HALF = D // 2

NUM_CORES = 2
NUM_SUBCORES = 16
EDGES_PER_TILE = N_EDGES // NUM_SUBCORES
CHUNK = 80
NCHUNKS = EDGES_PER_TILE // CHUNK
ROWS_PER_TILE = 624
TAIL_BASE = ROWS_PER_TILE * NUM_SUBCORES
TAIL = N_NODES - TAIL_BASE


NB = 6
GD = 3


def _sc_body(feat2n_h, src2x_h, dst1_h, nout_h, dout_h,
             degl, idx_s, idx_d, r0, r1, r2, r3, r4, r5, nacc,
             g0, g1, g2, g3, g4, g5, s0, s1, s2, s3, s4, s5, isem):
    rowbufs = (r0, r1, r2, r3, r4, r5)
    gsems = (g0, g1, g2, g3, g4, g5)
    scsems = (s0, s1, s2, s3, s4, s5)
    c = lax.axis_index("c")
    s = lax.axis_index("s")

    z16 = jnp.zeros((16,), jnp.float32)
    ones16 = jnp.ones((16,), jnp.float32)

    ixs = pltpu.async_copy(src2x_h.at[pl.ds(s * EDGES_PER_TILE, EDGES_PER_TILE)],
                           idx_s, isem)
    ixd = pltpu.async_copy(dst1_h.at[pl.ds(s * EDGES_PER_TILE, EDGES_PER_TILE)],
                           idx_d, isem)

    def zero_zbuf(i, carry):
        for k in range(HALF // 16):
            r0[i, pl.ds(k * 16, 16)] = z16
        return carry

    lax.fori_loop(0, CHUNK, zero_zbuf, 0)

    def zero_deg(i, carry):
        degl[pl.ds(i * 16, 16)] = z16
        return carry

    lax.fori_loop(0, N_NODES // 16, zero_deg, 0)

    for q in range(ROWS_PER_TILE // CHUNK):
        pltpu.sync_copy(r0, nacc.at[pl.ds(s * ROWS_PER_TILE + q * CHUNK, CHUNK)])
    rem = ROWS_PER_TILE % CHUNK
    if rem:
        pltpu.sync_copy(r0.at[pl.ds(0, rem)],
                        nacc.at[pl.ds(s * ROWS_PER_TILE + ROWS_PER_TILE - rem, rem)])

    @pl.when(s == NUM_SUBCORES - 1)
    def _():
        pltpu.sync_copy(r0.at[pl.ds(0, TAIL)], nacc.at[pl.ds(TAIL_BASE, TAIL)])

    ixs.wait()
    ixd.wait()
    plsc.subcore_barrier()

    feat_c = feat2n_h.at[pl.ds(c, 2 * N_NODES - 1)]

    def _gather(j, b):
        return pltpu.make_async_copy(
            feat_c.at[idx_s.at[pl.ds(j * CHUNK, CHUNK)]], rowbufs[b], gsems[b])

    def _scatter(j, b):
        return pltpu.make_async_copy(
            rowbufs[b], nacc.at[idx_d.at[pl.ds(j * CHUNK, CHUNK)]], scsems[b])

    def pipe(i, carry):
        for b in range(NB):
            j = NB * i + b

            @pl.when(j < NCHUNKS)
            def _():
                @pl.when(j >= NB)
                def _():
                    _scatter(j - NB, b).wait()

                _gather(j, b).start()

                @pl.when(c == 0)
                def _():
                    for k in range(CHUNK // 16):
                        i16 = idx_d[pl.ds(j * CHUNK + k * 16, 16)]
                        plsc.addupdate_scatter(degl, [i16], ones16)

            pb = (b - GD) % NB

            @pl.when(jnp.logical_and(j >= GD, j < NCHUNKS + GD))
            def _():
                p = j - GD
                _gather(p, pb).wait()
                _scatter(p, pb).start(add=True)

        return carry

    lax.fori_loop(0, (NCHUNKS + GD + NB - 1) // NB, pipe, 0)

    for t in range(NB):
        q = NCHUNKS - NB + t
        _scatter(q, q % NB).wait()
    plsc.subcore_barrier()

    nout_c = nout_h.at[:, pl.ds(c * HALF, HALF)]
    pltpu.sync_copy(nacc.at[pl.ds(s * ROWS_PER_TILE, ROWS_PER_TILE)],
                    nout_c.at[pl.ds(s * ROWS_PER_TILE, ROWS_PER_TILE)])

    @pl.when(s == NUM_SUBCORES - 1)
    def _():
        pltpu.sync_copy(nacc.at[pl.ds(TAIL_BASE, TAIL)],
                        nout_c.at[pl.ds(TAIL_BASE, TAIL)])

    @pl.when(c == 0)
    def _():
        pltpu.sync_copy(degl, dout_h.at[s])


def _sc_aggregate(feat2n, src2x, dst1):
    mesh = plsc.VectorSubcoreMesh(core_axis_name="c", subcore_axis_name="s")
    f = pl.kernel(
        _sc_body,
        out_type=[
            jax.ShapeDtypeStruct((N_NODES, D), jnp.float32),
            jax.ShapeDtypeStruct((NUM_SUBCORES, N_NODES), jnp.float32),
        ],
        mesh=mesh,
        compiler_params=pltpu.CompilerParams(
            needs_layout_passes=False, use_tc_tiling_on_sc=False),
        scratch_types=[
            pltpu.VMEM((N_NODES,), jnp.float32),
            pltpu.VMEM((EDGES_PER_TILE,), jnp.int32),
            pltpu.VMEM((EDGES_PER_TILE,), jnp.int32),
        ] + [pltpu.VMEM((CHUNK, HALF), jnp.float32) for _ in range(NB)]
        + [pltpu.VMEM_SHARED((N_NODES, HALF), jnp.float32)]
        + [pltpu.SemaphoreType.DMA for _ in range(2 * NB + 1)],
    )
    return f(feat2n, src2x, dst1)


def _tc_body(f_ref, n_ref, dp_ref, w_ref, b_ref, o_ref):
    deg = lax.dot_general(dp_ref[...], jnp.ones((NUM_SUBCORES, 1), jnp.float32),
                          (((1,), (0,)), ((), ())),
                          preferred_element_type=jnp.float32)
    rec = 1.0 / jnp.maximum(deg, 1.0)
    hk = n_ref[...] * rec
    w = w_ref[...]
    dn = (((1,), (1,)), ((), ()))
    acc = lax.dot_general(f_ref[...], w[:, :D], dn,
                          preferred_element_type=jnp.float32)
    acc = acc + lax.dot_general(hk, w[:, D:], dn,
                                preferred_element_type=jnp.float32)
    o_ref[...] = jnp.maximum(acc + b_ref[...], 0.0)


BLK = 1000


def _tc_dense(feature, nsum, dhist, W, brow):
    grid = (N_NODES // BLK,)
    return pl.pallas_call(
        _tc_body,
        grid=grid,
        in_specs=[
            pl.BlockSpec((BLK, D), lambda i: (i, 0)),
            pl.BlockSpec((BLK, D), lambda i: (i, 0)),
            pl.BlockSpec((BLK, NUM_SUBCORES), lambda i: (i, 0)),
            pl.BlockSpec((D, 2 * D), lambda i: (0, 0)),
            pl.BlockSpec((1, D), lambda i: (0, 0)),
        ],
        out_specs=pl.BlockSpec((BLK, D), lambda i: (i, 0)),
        out_shape=jax.ShapeDtypeStruct((N_NODES, D), jnp.float32),
    )(feature, nsum, dhist, W, brow)


def kernel(feature, edge_index, W, b):
    ei = edge_index.astype(jnp.int32)
    src2x = ei[0] * 2
    dst1 = ei[1]
    feat2n = feature.reshape(2 * N_NODES, HALF)
    nsum, dhist = _sc_aggregate(feat2n, src2x, dst1)
    return _tc_dense(feature, nsum, dhist.T, W, b.reshape(1, D))

# --- scband reference (transcript-rebuilt; emitter-appended) ---
"""Pipeline reference for scband-sageconv-28991029248362 (READ-ONLY COPY).

The authoritative reference and input builder live on the scoring server;
editing this copy changes nothing except your own understanding.
"""

import jax, jax.numpy as jnp
import numpy as np

N_NODES = 10000
N_EDGES = 320000
IN_FEATS = 128
OUT_FEATS = 128


def setup_inputs(seed: int = 0) -> dict:
    key = jax.random.key(seed)
    k1, k2, k3, k4 = jax.random.split(key, 4)
    feature = jax.random.normal(k1, (N_NODES, IN_FEATS), dtype=jnp.float32)
    edge_index = jax.random.randint(k2, (2, N_EDGES), 0, N_NODES, dtype=jnp.int64)
    # nn.Linear(in_feats + in_feats, out_feats): W [out, 2*in], b [out]
    bound = 1.0 / np.sqrt(2 * IN_FEATS)
    W = jax.random.uniform(k3, (OUT_FEATS, 2 * IN_FEATS), dtype=jnp.float32, minval=-bound, maxval=bound)
    b = jax.random.uniform(k4, (OUT_FEATS,), dtype=jnp.float32, minval=-bound, maxval=bound)
    return {"feature": feature, "edge_index": edge_index, "W": W, "b": b}


def reference(feature, edge_index, W, b):
    src = edge_index[0]
    dst = edge_index[1]
    # update_all(copy_src('h','m'), sum('m','neigh')): gather src feats, scatter-add to dst
    msgs = jnp.take(feature, src, axis=0)
    neigh = jax.ops.segment_sum(msgs, dst, num_segments=N_NODES)
    # in_degrees
    degs = jnp.zeros((N_NODES,), dtype=feature.dtype).at[dst].add(1.0)
    degs = jnp.maximum(degs, 1.0)  # guard isolated nodes (DGL would yield nan)
    hk_neigh = neigh / degs[:, None]
    hk = jnp.concatenate((feature, hk_neigh), axis=-1) @ W.T + b
    hk = jax.nn.relu(hk)
    return hk

if __name__ == "__main__":
    import jax
    _d = setup_inputs()
    print(jax.jit(kernel)(*tuple(_d.values())))

</pallas_src>

<mosaic_0001>
#map = affine_map<(d0, d1) -> (0, 0)>
#map1 = affine_map<(d0, d1) -> (0)>
module attributes {stable_mosaic.version = 14 : i64} {
  func.func @_sc_body(%arg0: i32, %arg1: i32, %arg2: memref<20000x64xf32, #tpu.memory_space<hbm>>, %arg3: memref<320000xi32, #tpu.memory_space<hbm>>, %arg4: memref<320000xi32, #tpu.memory_space<hbm>>, %arg5: memref<10000x128xf32, #tpu.memory_space<hbm>>, %arg6: memref<16x10000xf32, #tpu.memory_space<hbm>>, %arg7: memref<10000xf32, #tpu.memory_space<vmem>>, %arg8: memref<20000xi32, #tpu.memory_space<vmem>>, %arg9: memref<20000xi32, #tpu.memory_space<vmem>>, %arg10: memref<80x64xf32, #tpu.memory_space<vmem>>, %arg11: memref<80x64xf32, #tpu.memory_space<vmem>>, %arg12: memref<80x64xf32, #tpu.memory_space<vmem>>, %arg13: memref<80x64xf32, #tpu.memory_space<vmem>>, %arg14: memref<80x64xf32, #tpu.memory_space<vmem>>, %arg15: memref<80x64xf32, #tpu.memory_space<vmem>>, %arg16: memref<10000x64xf32, #tpu.memory_space<vmem_shared>>, %arg17: memref<!tpu.dma_semaphore, #tpu.memory_space<semaphore_mem>>, %arg18: memref<!tpu.dma_semaphore, #tpu.memory_space<semaphore_mem>>, %arg19: memref<!tpu.dma_semaphore, #tpu.memory_space<semaphore_mem>>, %arg20: memref<!tpu.dma_semaphore, #tpu.memory_space<semaphore_mem>>, %arg21: memref<!tpu.dma_semaphore, #tpu.memory_space<semaphore_mem>>, %arg22: memref<!tpu.dma_semaphore, #tpu.memory_space<semaphore_mem>>, %arg23: memref<!tpu.dma_semaphore, #tpu.memory_space<semaphore_mem>>, %arg24: memref<!tpu.dma_semaphore, #tpu.memory_space<semaphore_mem>>, %arg25: memref<!tpu.dma_semaphore, #tpu.memory_space<semaphore_mem>>, %arg26: memref<!tpu.dma_semaphore, #tpu.memory_space<semaphore_mem>>, %arg27: memref<!tpu.dma_semaphore, #tpu.memory_space<semaphore_mem>>, %arg28: memref<!tpu.dma_semaphore, #tpu.memory_space<semaphore_mem>>, %arg29: memref<!tpu.dma_semaphore, #tpu.memory_space<semaphore_mem>>) attributes {dimension_semantics = [#tpu.dimension_semantics<core_parallel>, #tpu.dimension_semantics<subcore_parallel>], iteration_bounds = array<i64: 2, 16>, scalar_prefetch = 0 : i64, scratch_operands = 23 : i64, tpu.core_type = #tpu.core_type<sc_vector_subcore>, window_params = [{transform_indices = #map}, {transform_indices = #map1}, {transform_indices = #map1}, {transform_indices = #map}, {transform_indices = #map}]} {
    %broadcast_in_dim3A = arith.constant 0.000000e+00 : f32
    %broadcast_in_dim3A_0 = vector.broadcast %broadcast_in_dim3A : f32 to vector<16xf32>
    %broadcast_in_dim3A_1 = arith.constant 1.000000e+00 : f32
    %broadcast_in_dim3A_2 = vector.broadcast %broadcast_in_dim3A_1 : f32 to vector<16xf32>
    %mul3A = arith.constant 20000 : i32
    %mul3A_3 = arith.muli %arg1, %mul3A : i32
    %dma_start3A = tpu.memref_slice %arg3[%mul3A_3] : memref<320000xi32, #tpu.memory_space<hbm>> -> memref<20000xi32, #tpu.memory_space<hbm>>
    %dma_start3A_4 = tpu.memref_slice %arg3[%mul3A_3] : memref<320000xi32, #tpu.memory_space<hbm>> -> memref<20000xi32, #tpu.memory_space<hbm>>
    tpu.enqueue_dma source(%dma_start3A_4 : memref<20000xi32, #tpu.memory_space<hbm>>) target(%arg8 : memref<20000xi32, #tpu.memory_space<vmem>>) target_semaphore(%arg29 : memref<!tpu.dma_semaphore, #tpu.memory_space<semaphore_mem>>)
    %mul3A_5 = arith.constant 20000 : i32
    %mul3A_6 = arith.muli %arg1, %mul3A_5 : i32
    %dma_start3A_7 = tpu.memref_slice %arg4[%mul3A_6] : memref<320000xi32, #tpu.memory_space<hbm>> -> memref<20000xi32, #tpu.memory_space<hbm>>
    %dma_start3A_8 = tpu.memref_slice %arg4[%mul3A_6] : memref<320000xi32, #tpu.memory_space<hbm>> -> memref<20000xi32, #tpu.memory_space<hbm>>
    tpu.enqueue_dma source(%dma_start3A_8 : memref<20000xi32, #tpu.memory_space<hbm>>) target(%arg9 : memref<20000xi32, #tpu.memory_space<vmem>>) target_semaphore(%arg29 : memref<!tpu.dma_semaphore, #tpu.memory_space<semaphore_mem>>)
    %scan3A = arith.constant 0 : i32
    %scan3A_9 = arith.constant 0 : i32
    %scan3A_10 = arith.constant 80 : i32
    %scan3A_11 = arith.addi %scan3A_9, %scan3A_10 : i32
    %scan3A_12 = arith.constant 1 : i32
    scf.for %scan3A_110 = %scan3A_9 to %scan3A_11 step %scan3A_12  : i32 {
      %swap3A = arith.index_cast %scan3A_110 : i32 to index
      %swap3A_111 = arith.constant 0 : index
      %swap3A_112 = tpu.vector_load %arg10[%swap3A, %swap3A_111] {strides = array<i32>} : memref<80x64xf32, #tpu.memory_space<vmem>>, vector<16xf32>,
      tpu.vector_store %arg10[%swap3A, %swap3A_111], %broadcast_in_dim3A_0 {strides = array<i32>} : memref<80x64xf32, #tpu.memory_space<vmem>>, vector<16xf32>,
      %swap3A_113 = arith.index_cast %scan3A_110 : i32 to index
      %swap3A_114 = arith.constant 16 : index
      %swap3A_115 = tpu.vector_load %arg10[%swap3A_113, %swap3A_114] {strides = array<i32>} : memref<80x64xf32, #tpu.memory_space<vmem>>, vector<16xf32>,
      tpu.vector_store %arg10[%swap3A_113, %swap3A_114], %broadcast_in_dim3A_0 {strides = array<i32>} : memref<80x64xf32, #tpu.memory_space<vmem>>, vector<16xf32>,
      %swap3A_116 = arith.index_cast %scan3A_110 : i32 to index
      %swap3A_117 = arith.constant 32 : index
      %swap3A_118 = tpu.vector_load %arg10[%swap3A_116, %swap3A_117] {strides = array<i32>} : memref<80x64xf32, #tpu.memory_space<vmem>>, vector<16xf32>,
      tpu.vector_store %arg10[%swap3A_116, %swap3A_117], %broadcast_in_dim3A_0 {strides = array<i32>} : memref<80x64xf32, #tpu.memory_space<vmem>>, vector<16xf32>,
      %swap3A_119 = arith.index_cast %scan3A_110 : i32 to index
      %swap3A_120 = arith.constant 48 : index
      %swap3A_121 = tpu.vector_load %arg10[%swap3A_119, %swap3A_120] {strides = array<i32>} : memref<80x64xf32, #tpu.memory_space<vmem>>, vector<16xf32>,
      tpu.vector_store %arg10[%swap3A_119, %swap3A_120], %broadcast_in_dim3A_0 {strides = array<i32>} : memref<80x64xf32, #tpu.memory_space<vmem>>, vector<16xf32>,
    }
    %scan3A_13 = arith.constant 80 : i32
    %scan3A_14 = arith.constant 0 : i32
    %scan3A_15 = arith.constant 0 : i32
    %scan3A_16 = arith.constant 625 : i32
    %scan3A_17 = arith.addi %scan3A_15, %scan3A_16 : i32
    %scan3A_18 = arith.constant 1 : i32
    scf.for %scan3A_110 = %scan3A_15 to %scan3A_17 step %scan3A_18  : i32 {
      %mul3A_111 = arith.constant 16 : i32
      %mul3A_112 = arith.muli %scan3A_110, %mul3A_111 : i32
      %swap3A = arith.index_cast %mul3A_112 : i32 to index
      %swap3A_113 = tpu.vector_load %arg7[%swap3A] {strides = array<i32>} : memref<10000xf32, #tpu.memory_space<vmem>>, vector<16xf32>,
      tpu.vector_store %arg7[%swap3A], %broadcast_in_dim3A_0 {strides = array<i32>} : memref<10000xf32, #tpu.memory_space<vmem>>, vector<16xf32>,
    }
    %scan3A_19 = arith.constant 625 : i32
    %mul3A_20 = arith.constant 624 : i32
    %mul3A_21 = arith.muli %arg1, %mul3A_20 : i32
    %add3A = arith.constant 0 : i32
    %add3A_22 = arith.addi %mul3A_21, %add3A : i32
    "tpu.region"() ({
      %run_scoped3A = tpu.sem_alloc : memref<!tpu.dma_semaphore, #tpu.memory_space<semaphore_mem>>
      %dma_start3A_110 = arith.constant 0 : i32
      %dma_start3A_111 = tpu.memref_slice %arg16[%add3A_22, %dma_start3A_110] : memref<10000x64xf32, #tpu.memory_space<vmem_shared>> -> memref<80x64xf32, #tpu.memory_space<vmem_shared>>
      %dma_start3A_112 = arith.constant 0 : i32
      %dma_start3A_113 = tpu.memref_slice %arg16[%add3A_22, %dma_start3A_112] : memref<10000x64xf32, #tpu.memory_space<vmem_shared>> -> memref<80x64xf32, #tpu.memory_space<vmem_shared>>
      tpu.enqueue_dma source(%arg10 : memref<80x64xf32, #tpu.memory_space<vmem>>) target(%dma_start3A_113 : memref<80x64xf32, #tpu.memory_space<vmem_shared>>) target_semaphore(%run_scoped3A : memref<!tpu.dma_semaphore, #tpu.memory_space<semaphore_mem>>)
      %dma_wait3A_114 = arith.constant 0 : i32
      %dma_wait3A_115 = tpu.memref_slice %arg16[%add3A_22, %dma_wait3A_114] : memref<10000x64xf32, #tpu.memory_space<vmem_shared>> -> memref<80x64xf32, #tpu.memory_space<vmem_shared>>
      %dma_wait3A_116 = arith.constant 0 : i32
      %dma_wait3A_117 = tpu.memref_slice %arg16[%add3A_22, %dma_wait3A_116] : memref<10000x64xf32, #tpu.memory_space<vmem_shared>> -> memref<80x64xf32, #tpu.memory_space<vmem_shared>>
      tpu.wait_dma2 semaphore(%run_scoped3A : memref<!tpu.dma_semaphore, #tpu.memory_space<semaphore_mem>>) src(%arg10 : memref<80x64xf32, #tpu.memory_space<vmem>>) dst(%dma_wait3A_117 : memref<80x64xf32, #tpu.memory_space<vmem_shared>>)
      tpu.yield
    }) : () -> ()
    %mul3A_23 = arith.constant 624 : i32
    %mul3A_24 = arith.muli %arg1, %mul3A_23 : i32
    %add3A_25 = arith.constant 80 : i32
    %add3A_26 = arith.addi %mul3A_24, %add3A_25 : i32
    "tpu.region"() ({
      %run_scoped3A = tpu.sem_alloc : memref<!tpu.dma_semaphore, #tpu.memory_space<semaphore_mem>>
      %dma_start3A_110 = arith.constant 0 : i32
      %dma_start3A_111 = tpu.memref_slice %arg16[%add3A_26, %dma_start3A_110] : memref<10000x64xf32, #tpu.memory_space<vmem_shared>> -> memref<80x64xf32, #tpu.memory_space<vmem_shared>>
      %dma_start3A_112 = arith.constant 0 : i32
      %dma_start3A_113 = tpu.memref_slice %arg16[%add3A_26, %dma_start3A_112] : memref<10000x64xf32, #tpu.memory_space<vmem_shared>> -> memref<80x64xf32, #tpu.memory_space<vmem_shared>>
      tpu.enqueue_dma source(%arg10 : memref<80x64xf32, #tpu.memory_space<vmem>>) target(%dma_start3A_113 : memref<80x64xf32, #tpu.memory_space<vmem_shared>>) target_semaphore(%run_scoped3A : memref<!tpu.dma_semaphore, #tpu.memory_space<semaphore_mem>>)
      %dma_wait3A_114 = arith.constant 0 : i32
      %dma_wait3A_115 = tpu.memref_slice %arg16[%add3A_26, %dma_wait3A_114] : memref<10000x64xf32, #tpu.memory_space<vmem_shared>> -> memref<80x64xf32, #tpu.memory_space<vmem_shared>>
      %dma_wait3A_116 = arith.constant 0 : i32
      %dma_wait3A_117 = tpu.memref_slice %arg16[%add3A_26, %dma_wait3A_116] : memref<10000x64xf32, #tpu.memory_space<vmem_shared>> -> memref<80x64xf32, #tpu.memory_space<vmem_shared>>
      tpu.wait_dma2 semaphore(%run_scoped3A : memref<!tpu.dma_semaphore, #tpu.memory_space<semaphore_mem>>) src(%arg10 : memref<80x64xf32, #tpu.memory_space<vmem>>) dst(%dma_wait3A_117 : memref<80x64xf32, #tpu.memory_space<vmem_shared>>)
      tpu.yield
    }) : () -> ()
    %mul3A_27 = arith.constant 624 : i32
    %mul3A_28 = arith.muli %arg1, %mul3A_27 : i32
    %add3A_29 = arith.constant 160 : i32
    %add3A_30 = arith.addi %mul3A_28, %add3A_29 : i32
    "tpu.region"() ({
      %run_scoped3A = tpu.sem_alloc : memref<!tpu.dma_semaphore, #tpu.memory_space<semaphore_mem>>
      %dma_start3A_110 = arith.constant 0 : i32
      %dma_start3A_111 = tpu.memref_slice %arg16[%add3A_30, %dma_start3A_110] : memref<10000x64xf32, #tpu.memory_space<vmem_shared>> -> memref<80x64xf32, #tpu.memory_space<vmem_shared>>
      %dma_start3A_112 = arith.constant 0 : i32
      %dma_start3A_113 = tpu.memref_slice %arg16[%add3A_30, %dma_start3A_112] : memref<10000x64xf32, #tpu.memory_space<vmem_shared>> -> memref<80x64xf32, #tpu.memory_space<vmem_shared>>
      tpu.enqueue_dma source(%arg10 : memref<80x64xf32, #tpu.memory_space<vmem>>) target(%dma_start3A_113 : memref<80x64xf32, #tpu.memory_space<vmem_shared>>) target_semaphore(%run_scoped3A : memref<!tpu.dma_semaphore, #tpu.memory_space<semaphore_mem>>)
      %dma_wait3A_114 = arith.constant 0 : i32
      %dma_wait3A_115 = tpu.memref_slice %arg16[%add3A_30, %dma_wait3A_114] : memref<10000x64xf32, #tpu.memory_space<vmem_shared>> -> memref<80x64xf32, #tpu.memory_space<vmem_shared>>
      %dma_wait3A_116 = arith.constant 0 : i32
      %dma_wait3A_117 = tpu.memref_slice %arg16[%add3A_30, %dma_wait3A_116] : memref<10000x64xf32, #tpu.memory_space<vmem_shared>> -> memref<80x64xf32, #tpu.memory_space<vmem_shared>>
      tpu.wait_dma2 semaphore(%run_scoped3A : memref<!tpu.dma_semaphore, #tpu.memory_space<semaphore_mem>>) src(%arg10 : memref<80x64xf32, #tpu.memory_space<vmem>>) dst(%dma_wait3A_117 : memref<80x64xf32, #tpu.memory_space<vmem_shared>>)
      tpu.yield
    }) : () -> ()
    %mul3A_31 = arith.constant 624 : i32
    %mul3A_32 = arith.muli %arg1, %mul3A_31 : i32
    %add3A_33 = arith.constant 240 : i32
    %add3A_34 = arith.addi %mul3A_32, %add3A_33 : i32
    "tpu.region"() ({
      %run_scoped3A = tpu.sem_alloc : memref<!tpu.dma_semaphore, #tpu.memory_space<semaphore_mem>>
      %dma_start3A_110 = arith.constant 0 : i32
      %dma_start3A_111 = tpu.memref_slice %arg16[%add3A_34, %dma_start3A_110] : memref<10000x64xf32, #tpu.memory_space<vmem_shared>> -> memref<80x64xf32, #tpu.memory_space<vmem_shared>>
      %dma_start3A_112 = arith.constant 0 : i32
      %dma_start3A_113 = tpu.memref_slice %arg16[%add3A_34, %dma_start3A_112] : memref<10000x64xf32, #tpu.memory_space<vmem_shared>> -> memref<80x64xf32, #tpu.memory_space<vmem_shared>>
      tpu.enqueue_dma source(%arg10 : memref<80x64xf32, #tpu.memory_space<vmem>>) target(%dma_start3A_113 : memref<80x64xf32, #tpu.memory_space<vmem_shared>>) target_semaphore(%run_scoped3A : memref<!tpu.dma_semaphore, #tpu.memory_space<semaphore_mem>>)
      %dma_wait3A_114 = arith.constant 0 : i32
      %dma_wait3A_115 = tpu.memref_slice %arg16[%add3A_34, %dma_wait3A_114] : memref<10000x64xf32, #tpu.memory_space<vmem_shared>> -> memref<80x64xf32, #tpu.memory_space<vmem_shared>>
      %dma_wait3A_116 = arith.constant 0 : i32
      %dma_wait3A_117 = tpu.memref_slice %arg16[%add3A_34, %dma_wait3A_116] : memref<10000x64xf32, #tpu.memory_space<vmem_shared>> -> memref<80x64xf32, #tpu.memory_space<vmem_shared>>
      tpu.wait_dma2 semaphore(%run_scoped3A : memref<!tpu.dma_semaphore, #tpu.memory_space<semaphore_mem>>) src(%arg10 : memref<80x64xf32, #tpu.memory_space<vmem>>) dst(%dma_wait3A_117 : memref<80x64xf32, #tpu.memory_space<vmem_shared>>)
      tpu.yield
    }) : () -> ()
    %mul3A_35 = arith.constant 624 : i32
    %mul3A_36 = arith.muli %arg1, %mul3A_35 : i32
    %add3A_37 = arith.constant 320 : i32
    %add3A_38 = arith.addi %mul3A_36, %add3A_37 : i32
    "tpu.region"() ({
      %run_scoped3A = tpu.sem_alloc : memref<!tpu.dma_semaphore, #tpu.memory_space<semaphore_mem>>
      %dma_start3A_110 = arith.constant 0 : i32
      %dma_start3A_111 = tpu.memref_slice %arg16[%add3A_38, %dma_start3A_110] : memref<10000x64xf32, #tpu.memory_space<vmem_shared>> -> memref<80x64xf32, #tpu.memory_space<vmem_shared>>
      %dma_start3A_112 = arith.constant 0 : i32
      %dma_start3A_113 = tpu.memref_slice %arg16[%add3A_38, %dma_start3A_112] : memref<10000x64xf32, #tpu.memory_space<vmem_shared>> -> memref<80x64xf32, #tpu.memory_space<vmem_shared>>
      tpu.enqueue_dma source(%arg10 : memref<80x64xf32, #tpu.memory_space<vmem>>) target(%dma_start3A_113 : memref<80x64xf32, #tpu.memory_space<vmem_shared>>) target_semaphore(%run_scoped3A : memref<!tpu.dma_semaphore, #tpu.memory_space<semaphore_mem>>)
      %dma_wait3A_114 = arith.constant 0 : i32
      %dma_wait3A_115 = tpu.memref_slice %arg16[%add3A_38, %dma_wait3A_114] : memref<10000x64xf32, #tpu.memory_space<vmem_shared>> -> memref<80x64xf32, #tpu.memory_space<vmem_shared>>
      %dma_wait3A_116 = arith.constant 0 : i32
      %dma_wait3A_117 = tpu.memref_slice %arg16[%add3A_38, %dma_wait3A_116] : memref<10000x64xf32, #tpu.memory_space<vmem_shared>> -> memref<80x64xf32, #tpu.memory_space<vmem_shared>>
      tpu.wait_dma2 semaphore(%run_scoped3A : memref<!tpu.dma_semaphore, #tpu.memory_space<semaphore_mem>>) src(%arg10 : memref<80x64xf32, #tpu.memory_space<vmem>>) dst(%dma_wait3A_117 : memref<80x64xf32, #tpu.memory_space<vmem_shared>>)
      tpu.yield
    }) : () -> ()
    %mul3A_39 = arith.constant 624 : i32
    %mul3A_40 = arith.muli %arg1, %mul3A_39 : i32
    %add3A_41 = arith.constant 400 : i32
    %add3A_42 = arith.addi %mul3A_40, %add3A_41 : i32
    "tpu.region"() ({
      %run_scoped3A = tpu.sem_alloc : memref<!tpu.dma_semaphore, #tpu.memory_space<semaphore_mem>>
      %dma_start3A_110 = arith.constant 0 : i32
      %dma_start3A_111 = tpu.memref_slice %arg16[%add3A_42, %dma_start3A_110] : memref<10000x64xf32, #tpu.memory_space<vmem_shared>> -> memref<80x64xf32, #tpu.memory_space<vmem_shared>>
      %dma_start3A_112 = arith.constant 0 : i32
      %dma_start3A_113 = tpu.memref_slice %arg16[%add3A_42, %dma_start3A_112] : memref<10000x64xf32, #tpu.memory_space<vmem_shared>> -> memref<80x64xf32, #tpu.memory_space<vmem_shared>>
      tpu.enqueue_dma source(%arg10 : memref<80x64xf32, #tpu.memory_space<vmem>>) target(%dma_start3A_113 : memref<80x64xf32, #tpu.memory_space<vmem_shared>>) target_semaphore(%run_scoped3A : memref<!tpu.dma_semaphore, #tpu.memory_space<semaphore_mem>>)
      %dma_wait3A_114 = arith.constant 0 : i32
      %dma_wait3A_115 = tpu.memref_slice %arg16[%add3A_42, %dma_wait3A_114] : memref<10000x64xf32, #tpu.memory_space<vmem_shared>> -> memref<80x64xf32, #tpu.memory_space<vmem_shared>>
      %dma_wait3A_116 = arith.constant 0 : i32
      %dma_wait3A_117 = tpu.memref_slice %arg16[%add3A_42, %dma_wait3A_116] : memref<10000x64xf32, #tpu.memory_space<vmem_shared>> -> memref<80x64xf32, #tpu.memory_space<vmem_shared>>
      tpu.wait_dma2 semaphore(%run_scoped3A : memref<!tpu.dma_semaphore, #tpu.memory_space<semaphore_mem>>) src(%arg10 : memref<80x64xf32, #tpu.memory_space<vmem>>) dst(%dma_wait3A_117 : memref<80x64xf32, #tpu.memory_space<vmem_shared>>)
      tpu.yield
    }) : () -> ()
    %mul3A_43 = arith.constant 624 : i32
    %mul3A_44 = arith.muli %arg1, %mul3A_43 : i32
    %add3A_45 = arith.constant 480 : i32
    %add3A_46 = arith.addi %mul3A_44, %add3A_45 : i32
    "tpu.region"() ({
      %run_scoped3A = tpu.sem_alloc : memref<!tpu.dma_semaphore, #tpu.memory_space<semaphore_mem>>
      %dma_start3A_110 = arith.constant 0 : i32
      %dma_start3A_111 = tpu.memref_slice %arg16[%add3A_46, %dma_start3A_110] : memref<10000x64xf32, #tpu.memory_space<vmem_shared>> -> memref<80x64xf32, #tpu.memory_space<vmem_shared>>
      %dma_start3A_112 = arith.constant 0 : i32
      %dma_start3A_113 = tpu.memref_slice %arg16[%add3A_46, %dma_start3A_112] : memref<10000x64xf32, #tpu.memory_space<vmem_shared>> -> memref<80x64xf32, #tpu.memory_space<vmem_shared>>
      tpu.enqueue_dma source(%arg10 : memref<80x64xf32, #tpu.memory_space<vmem>>) target(%dma_start3A_113 : memref<80x64xf32, #tpu.memory_space<vmem_shared>>) target_semaphore(%run_scoped3A : memref<!tpu.dma_semaphore, #tpu.memory_space<semaphore_mem>>)
      %dma_wait3A_114 = arith.constant 0 : i32
      %dma_wait3A_115 = tpu.memref_slice %arg16[%add3A_46, %dma_wait3A_114] : memref<10000x64xf32, #tpu.memory_space<vmem_shared>> -> memref<80x64xf32, #tpu.memory_space<vmem_shared>>
      %dma_wait3A_116 = arith.constant 0 : i32
      %dma_wait3A_117 = tpu.memref_slice %arg16[%add3A_46, %dma_wait3A_116] : memref<10000x64xf32, #tpu.memory_space<vmem_shared>> -> memref<80x64xf32, #tpu.memory_space<vmem_shared>>
      tpu.wait_dma2 semaphore(%run_scoped3A : memref<!tpu.dma_semaphore, #tpu.memory_space<semaphore_mem>>) src(%arg10 : memref<80x64xf32, #tpu.memory_space<vmem>>) dst(%dma_wait3A_117 : memref<80x64xf32, #tpu.memory_space<vmem_shared>>)
      tpu.yield
    }) : () -> ()
    %mul3A_47 = arith.constant 624 : i32
    %mul3A_48 = arith.muli %arg1, %mul3A_47 : i32
    %add3A_49 = arith.constant 624 : i32
    %add3A_50 = arith.addi %mul3A_48, %add3A_49 : i32
    %sub3A = arith.constant 64 : i32
    %sub3A_51 = arith.subi %add3A_50, %sub3A : i32
    "tpu.region"() ({
      %run_scoped3A = tpu.sem_alloc : memref<!tpu.dma_semaphore, #tpu.memory_space<semaphore_mem>>
      %dma_start3A_110 = arith.constant 0 : i32
      %dma_start3A_111 = arith.constant 0 : i32
      %dma_start3A_112 = tpu.memref_slice %arg10[%dma_start3A_110, %dma_start3A_111] : memref<80x64xf32, #tpu.memory_space<vmem>> -> memref<64x64xf32, #tpu.memory_space<vmem>>
      %dma_start3A_113 = arith.constant 0 : i32
      %dma_start3A_114 = tpu.memref_slice %arg16[%sub3A_51, %dma_start3A_113] : memref<10000x64xf32, #tpu.memory_space<vmem_shared>> -> memref<64x64xf32, #tpu.memory_space<vmem_shared>>
      %dma_start3A_115 = arith.constant 0 : i32
      %dma_start3A_116 = tpu.memref_slice %arg16[%sub3A_51, %dma_start3A_115] : memref<10000x64xf32, #tpu.memory_space<vmem_shared>> -> memref<64x64xf32, #tpu.memory_space<vmem_shared>>
      %dma_start3A_117 = arith.constant 0 : i32
      %dma_start3A_118 = arith.constant 0 : i32
      %dma_start3A_119 = tpu.memref_slice %arg10[%dma_start3A_117, %dma_start3A_118] : memref<80x64xf32, #tpu.memory_space<vmem>> -> memref<64x64xf32, #tpu.memory_space<vmem>>
      tpu.enqueue_dma source(%dma_start3A_119 : memref<64x64xf32, #tpu.memory_space<vmem>>) target(%dma_start3A_116 : memref<64x64xf32, #tpu.memory_space<vmem_shared>>) target_semaphore(%run_scoped3A : memref<!tpu.dma_semaphore, #tpu.memory_space<semaphore_mem>>)
      %dma_wait3A_120 = arith.constant 0 : i32
      %dma_wait3A_121 = arith.constant 0 : i32
      %dma_wait3A_122 = tpu.memref_slice %arg10[%dma_wait3A_120, %dma_wait3A_121] : memref<80x64xf32, #tpu.memory_space<vmem>> -> memref<64x64xf32, #tpu.memory_space<vmem>>
      %dma_wait3A_123 = arith.constant 0 : i32
      %dma_wait3A_124 = tpu.memref_slice %arg16[%sub3A_51, %dma_wait3A_123] : memref<10000x64xf32, #tpu.memory_space<vmem_shared>> -> memref<64x64xf32, #tpu.memory_space<vmem_shared>>
      %dma_wait3A_125 = arith.constant 0 : i32
      %dma_wait3A_126 = tpu.memref_slice %arg16[%sub3A_51, %dma_wait3A_125] : memref<10000x64xf32, #tpu.memory_space<vmem_shared>> -> memref<64x64xf32, #tpu.memory_space<vmem_shared>>
      %dma_wait3A_127 = arith.constant 0 : i32
      %dma_wait3A_128 = arith.constant 0 : i32
      %dma_wait3A_129 = tpu.memref_slice %arg10[%dma_wait3A_127, %dma_wait3A_128] : memref<80x64xf32, #tpu.memory_space<vmem>> -> memref<64x64xf32, #tpu.memory_space<vmem>>
      tpu.wait_dma2 semaphore(%run_scoped3A : memref<!tpu.dma_semaphore, #tpu.memory_space<semaphore_mem>>) src(%dma_wait3A_129 : memref<64x64xf32, #tpu.memory_space<vmem>>) dst(%dma_wait3A_126 : memref<64x64xf32, #tpu.memory_space<vmem_shared>>)
      tpu.yield
    }) : () -> ()
    %eq3A = arith.constant 15 : i32
    %eq3A_52 = arith.cmpi eq, %arg1, %eq3A : i32
    %convert_element_type3A = arith.extui %eq3A_52 : i1 to i32
    %cond3A = arith.constant 0 : i32
    %cond3A_53 = arith.cmpi ne, %convert_element_type3A, %cond3A : i32
    scf.if %cond3A_53 {
      "tpu.region"() ({
        %run_scoped3A = tpu.sem_alloc : memref<!tpu.dma_semaphore, #tpu.memory_space<semaphore_mem>>
        %dma_start3A_110 = arith.constant 0 : i32
        %dma_start3A_111 = arith.constant 0 : i32
        %dma_start3A_112 = tpu.memref_slice %arg10[%dma_start3A_110, %dma_start3A_111] : memref<80x64xf32, #tpu.memory_space<vmem>> -> memref<16x64xf32, #tpu.memory_space<vmem>>
        %dma_start3A_113 = arith.constant 9984 : i32
        %dma_start3A_114 = arith.constant 0 : i32
        %dma_start3A_115 = tpu.memref_slice %arg16[%dma_start3A_113, %dma_start3A_114] : memref<10000x64xf32, #tpu.memory_space<vmem_shared>> -> memref<16x64xf32, #tpu.memory_space<vmem_shared>>
        %dma_start3A_116 = arith.constant 9984 : i32
        %dma_start3A_117 = arith.constant 0 : i32
        %dma_start3A_118 = tpu.memref_slice %arg16[%dma_start3A_116, %dma_start3A_117] : memref<10000x64xf32, #tpu.memory_space<vmem_shared>> -> memref<16x64xf32, #tpu.memory_space<vmem_shared>>
        %dma_start3A_119 = arith.constant 0 : i32
        %dma_start3A_120 = arith.constant 0 : i32
        %dma_start3A_121 = tpu.memref_slice %arg10[%dma_start3A_119, %dma_start3A_120] : memref<80x64xf32, #tpu.memory_space<vmem>> -> memref<16x64xf32, #tpu.memory_space<vmem>>
        tpu.enqueue_dma source(%dma_start3A_121 : memref<16x64xf32, #tpu.memory_space<vmem>>) target(%dma_start3A_118 : memref<16x64xf32, #tpu.memory_space<vmem_shared>>) target_semaphore(%run_scoped3A : memref<!tpu.dma_semaphore, #tpu.memory_space<semaphore_mem>>)
        %dma_wait3A_122 = arith.constant 0 : i32
        %dma_wait3A_123 = arith.constant 0 : i32
        %dma_wait3A_124 = tpu.memref_slice %arg10[%dma_wait3A_122, %dma_wait3A_123] : memref<80x64xf32, #tpu.memory_space<vmem>> -> memref<16x64xf32, #tpu.memory_space<vmem>>
        %dma_wait3A_125 = arith.constant 9984 : i32
        %dma_wait3A_126 = arith.constant 0 : i32
        %dma_wait3A_127 = tpu.memref_slice %arg16[%dma_wait3A_125, %dma_wait3A_126] : memref<10000x64xf32, #tpu.memory_space<vmem_shared>> -> memref<16x64xf32, #tpu.memory_space<vmem_shared>>
        %dma_wait3A_128 = arith.constant 9984 : i32
        %dma_wait3A_129 = arith.constant 0 : i32
        %dma_wait3A_130 = tpu.memref_slice %arg16[%dma_wait3A_128, %dma_wait3A_129] : memref<10000x64xf32, #tpu.memory_space<vmem_shared>> -> memref<16x64xf32, #tpu.memory_space<vmem_shared>>
        %dma_wait3A_131 = arith.constant 0 : i32
        %dma_wait3A_132 = arith.constant 0 : i32
        %dma_wait3A_133 = tpu.memref_slice %arg10[%dma_wait3A_131, %dma_wait3A_132] : memref<80x64xf32, #tpu.memory_space<vmem>> -> memref<16x64xf32, #tpu.memory_space<vmem>>
        tpu.wait_dma2 semaphore(%run_scoped3A : memref<!tpu.dma_semaphore, #tpu.memory_space<semaphore_mem>>) src(%dma_wait3A_133 : memref<16x64xf32, #tpu.memory_space<vmem>>) dst(%dma_wait3A_130 : memref<16x64xf32, #tpu.memory_space<vmem_shared>>)
        tpu.yield
      }) : () -> ()
    } else {
    }
    %dma_wait3A = tpu.memref_slice %arg3[%mul3A_3] : memref<320000xi32, #tpu.memory_space<hbm>> -> memref<20000xi32, #tpu.memory_space<hbm>>
    %dma_wait3A_54 = tpu.memref_slice %arg3[%mul3A_3] : memref<320000xi32, #tpu.memory_space<hbm>> -> memref<20000xi32, #tpu.memory_space<hbm>>
    tpu.wait_dma2 semaphore(%arg29 : memref<!tpu.dma_semaphore, #tpu.memory_space<semaphore_mem>>) src(%dma_wait3A_54 : memref<20000xi32, #tpu.memory_space<hbm>>) dst(%arg8 : memref<20000xi32, #tpu.memory_space<vmem>>)
    %dma_wait3A_55 = tpu.memref_slice %arg4[%mul3A_6] : memref<320000xi32, #tpu.memory_space<hbm>> -> memref<20000xi32, #tpu.memory_space<hbm>>
    %dma_wait3A_56 = tpu.memref_slice %arg4[%mul3A_6] : memref<320000xi32, #tpu.memory_space<hbm>> -> memref<20000xi32, #tpu.memory_space<hbm>>
    tpu.wait_dma2 semaphore(%arg29 : memref<!tpu.dma_semaphore, #tpu.memory_space<semaphore_mem>>) src(%dma_wait3A_56 : memref<20000xi32, #tpu.memory_space<hbm>>) dst(%arg9 : memref<20000xi32, #tpu.memory_space<vmem>>)
    %barrier3A = arith.constant 0 : index
    tpu.barrier barrier_id(%barrier3A)
    %scan3A_57 = arith.constant 0 : i32
    %scan3A_58 = arith.constant 0 : i32
    %scan3A_59 = arith.constant 43 : i32
    %scan3A_60 = arith.addi %scan3A_58, %scan3A_59 : i32
    %scan3A_61 = arith.constant 1 : i32
    scf.for %scan3A_110 = %scan3A_58 to %scan3A_60 step %scan3A_61  : i32 {
      %mul3A_111 = arith.constant 6 : i32
      %mul3A_112 = arith.muli %mul3A_111, %scan3A_110 : i32
      %add3A_113 = arith.constant 0 : i32
      %add3A_114 = arith.addi %mul3A_112, %add3A_113 : i32
      %lt3A = arith.constant 250 : i32
      %lt3A_115 = arith.cmpi slt, %add3A_114, %lt3A : i32
      %convert_element_type3A_116 = arith.extui %lt3A_115 : i1 to i32
      %cond3A_117 = arith.constant 0 : i32
      %cond3A_118 = arith.cmpi ne, %convert_element_type3A_116, %cond3A_117 : i32
      scf.if %cond3A_118 {
        %ge3A_210 = arith.constant 6 : i32
        %ge3A_211 = arith.cmpi sge, %add3A_114, %ge3A_210 : i32
        %convert_element_type3A_212 = arith.extui %ge3A_211 : i1 to i32
        %cond3A_213 = arith.constant 0 : i32
        %cond3A_214 = arith.cmpi ne, %convert_element_type3A_212, %cond3A_213 : i32
        scf.if %cond3A_214 {
          %sub3A_228 = arith.constant 6 : i32
          %sub3A_229 = arith.subi %add3A_114, %sub3A_228 : i32
          %mul3A_230 = arith.constant 80 : i32
          %mul3A_231 = arith.muli %sub3A_229, %mul3A_230 : i32
          %dma_wait3A_232 = tpu.memref_slice %arg9[%mul3A_231] : memref<20000xi32, #tpu.memory_space<vmem>> -> memref<80xi32, #tpu.memory_space<vmem>>
          %dma_wait3A_233 = arith.constant 0 : i32
          %dma_wait3A_234 = arith.constant 0 : i32
          %dma_wait3A_235 = tpu.memref_slice %arg16[%dma_wait3A_233, %dma_wait3A_234] : memref<10000x64xf32, #tpu.memory_space<vmem_shared>> -> memref<10000x64xf32, #tpu.memory_space<vmem_shared>>
          tpu.wait_indirect_dma semaphore(%arg23 : memref<!tpu.dma_semaphore, #tpu.memory_space<semaphore_mem>>) src(%arg10 : memref<80x64xf32, #tpu.memory_space<vmem>>) dst(%dma_wait3A_235 : memref<10000x64xf32, #tpu.memory_space<vmem_shared>>)
        } else {
        }
        %mul3A_215 = arith.constant 80 : i32
        %mul3A_216 = arith.muli %add3A_114, %mul3A_215 : i32
        %dma_start3A_217 = tpu.memref_slice %arg8[%mul3A_216] : memref<20000xi32, #tpu.memory_space<vmem>> -> memref<80xi32, #tpu.memory_space<vmem>>
        %dma_start3A_218 = arith.constant 0 : i32
        %dma_start3A_219 = tpu.memref_slice %arg2[%arg0, %dma_start3A_218] : memref<20000x64xf32, #tpu.memory_space<hbm>> -> memref<19999x64xf32, #tpu.memory_space<hbm>>
        %dma_start3A_220 = arith.constant 0 : i32
        %dma_start3A_221 = arith.constant 0 : i32
        %dma_start3A_222 = tpu.memref_slice %dma_start3A_219[%dma_start3A_220, %dma_start3A_221] : memref<19999x64xf32, #tpu.memory_space<hbm>> -> memref<19999x64xf32, #tpu.memory_space<hbm>>
        tpu.enqueue_indirect_dma source(%dma_start3A_222 : memref<19999x64xf32, #tpu.memory_space<hbm>>) target(%arg10 : memref<80x64xf32, #tpu.memory_space<vmem>>) offsets(%dma_start3A_217 : memref<80xi32, #tpu.memory_space<vmem>>) semaphore(%arg17 : memref<!tpu.dma_semaphore, #tpu.memory_space<semaphore_mem>>)
        %eq3A_223 = arith.constant 0 : i32
        %eq3A_224 = arith.cmpi eq, %arg0, %eq3A_223 : i32
        %convert_element_type3A_225 = arith.extui %eq3A_224 : i1 to i32
        %cond3A_226 = arith.constant 0 : i32
        %cond3A_227 = arith.cmpi ne, %convert_element_type3A_225, %cond3A_226 : i32
        scf.if %cond3A_227 {
          %mul3A_228 = arith.constant 80 : i32
          %mul3A_229 = arith.muli %add3A_114, %mul3A_228 : i32
          %add3A_230 = arith.constant 0 : i32
          %add3A_231 = arith.addi %mul3A_229, %add3A_230 : i32
          %get3A = arith.index_cast %add3A_231 : i32 to index
          %get3A_232 = tpu.vector_load %arg9[%get3A] {strides = array<i32>} : memref<20000xi32, #tpu.memory_space<vmem>>, vector<16xi32>,
          tpu.vector_store_idx %arg7[%get3A_232], %broadcast_in_dim3A_2 {add = true} : memref<10000xf32, #tpu.memory_space<vmem>>[vector<16xi32>], vector<16xf32>,
          %mul3A_233 = arith.constant 80 : i32
          %mul3A_234 = arith.muli %add3A_114, %mul3A_233 : i32
          %add3A_235 = arith.constant 16 : i32
          %add3A_236 = arith.addi %mul3A_234, %add3A_235 : i32
          %get3A_237 = arith.index_cast %add3A_236 : i32 to index
          %get3A_238 = tpu.vector_load %arg9[%get3A_237] {strides = array<i32>} : memref<20000xi32, #tpu.memory_space<vmem>>, vector<16xi32>,
          tpu.vector_store_idx %arg7[%get3A_238], %broadcast_in_dim3A_2 {add = true} : memref<10000xf32, #tpu.memory_space<vmem>>[vector<16xi32>], vector<16xf32>,
          %mul3A_239 = arith.constant 80 : i32
          %mul3A_240 = arith.muli %add3A_114, %mul3A_239 : i32
          %add3A_241 = arith.constant 32 : i32
          %add3A_242 = arith.addi %mul3A_240, %add3A_241 : i32
          %get3A_243 = arith.index_cast %add3A_242 : i32 to index
          %get3A_244 = tpu.vector_load %arg9[%get3A_243] {strides = array<i32>} : memref<20000xi32, #tpu.memory_space<vmem>>, vector<16xi32>,
          tpu.vector_store_idx %arg7[%get3A_244], %broadcast_in_dim3A_2 {add = true} : memref<10000xf32, #tpu.memory_space<vmem>>[vector<16xi32>], vector<16xf32>,
          %mul3A_245 = arith.constant 80 : i32
          %mul3A_246 = arith.muli %add3A_114, %mul3A_245 : i32
          %add3A_247 = arith.constant 48 : i32
          %add3A_248 = arith.addi %mul3A_246, %add3A_247 : i32
          %get3A_249 = arith.index_cast %add3A_248 : i32 to index
          %get3A_250 = tpu.vector_load %arg9[%get3A_249] {strides = array<i32>} : memref<20000xi32, #tpu.memory_space<vmem>>, vector<16xi32>,
          tpu.vector_store_idx %arg7[%get3A_250], %broadcast_in_dim3A_2 {add = true} : memref<10000xf32, #tpu.memory_space<vmem>>[vector<16xi32>], vector<16xf32>,
          %mul3A_251 = arith.constant 80 : i32
          %mul3A_252 = arith.muli %add3A_114, %mul3A_251 : i32
          %add3A_253 = arith.constant 64 : i32
          %add3A_254 = arith.addi %mul3A_252, %add3A_253 : i32
          %get3A_255 = arith.index_cast %add3A_254 : i32 to index
          %get3A_256 = tpu.vector_load %arg9[%get3A_255] {strides = array<i32>} : memref<20000xi32, #tpu.memory_space<vmem>>, vector<16xi32>,
          tpu.vector_store_idx %arg7[%get3A_256], %broadcast_in_dim3A_2 {add = true} : memref<10000xf32, #tpu.memory_space<vmem>>[vector<16xi32>], vector<16xf32>,
        } else {
        }
      } else {
      }
      %ge3A = arith.constant 3 : i32
      %ge3A_119 = arith.cmpi sge, %add3A_114, %ge3A : i32
      %lt3A_120 = arith.constant 253 : i32
      %lt3A_121 = arith.cmpi slt, %add3A_114, %lt3A_120 : i32
      %and3A = arith.andi %ge3A_119, %lt3A_121 : i1
      %convert_element_type3A_122 = arith.extui %and3A : i1 to i32
      %cond3A_123 = arith.constant 0 : i32
      %cond3A_124 = arith.cmpi ne, %convert_element_type3A_122, %cond3A_123 : i32
      scf.if %cond3A_124 {
        %sub3A_210 = arith.constant 3 : i32
        %sub3A_211 = arith.subi %add3A_114, %sub3A_210 : i32
        %mul3A_212 = arith.constant 80 : i32
        %mul3A_213 = arith.muli %sub3A_211, %mul3A_212 : i32
        %dma_wait3A_214 = tpu.memref_slice %arg8[%mul3A_213] : memref<20000xi32, #tpu.memory_space<vmem>> -> memref<80xi32, #tpu.memory_space<vmem>>
        %dma_wait3A_215 = arith.constant 0 : i32
        %dma_wait3A_216 = tpu.memref_slice %arg2[%arg0, %dma_wait3A_215] : memref<20000x64xf32, #tpu.memory_space<hbm>> -> memref<19999x64xf32, #tpu.memory_space<hbm>>
        %dma_wait3A_217 = arith.constant 0 : i32
        %dma_wait3A_218 = arith.constant 0 : i32
        %dma_wait3A_219 = tpu.memref_slice %dma_wait3A_216[%dma_wait3A_217, %dma_wait3A_218] : memref<19999x64xf32, #tpu.memory_space<hbm>> -> memref<19999x64xf32, #tpu.memory_space<hbm>>
        tpu.wait_indirect_dma semaphore(%arg20 : memref<!tpu.dma_semaphore, #tpu.memory_space<semaphore_mem>>) src(%dma_wait3A_219 : memref<19999x64xf32, #tpu.memory_space<hbm>>) dst(%arg13 : memref<80x64xf32, #tpu.memory_space<vmem>>)
        %mul3A_220 = arith.constant 80 : i32
        %mul3A_221 = arith.muli %sub3A_211, %mul3A_220 : i32
        %dma_start3A_222 = tpu.memref_slice %arg9[%mul3A_221] : memref<20000xi32, #tpu.memory_space<vmem>> -> memref<80xi32, #tpu.memory_space<vmem>>
        %dma_start3A_223 = arith.constant 0 : i32
        %dma_start3A_224 = arith.constant 0 : i32
        %dma_start3A_225 = tpu.memref_slice %arg16[%dma_start3A_223, %dma_start3A_224] : memref<10000x64xf32, #tpu.memory_space<vmem_shared>> -> memref<10000x64xf32, #tpu.memory_space<vmem_shared>>
        tpu.enqueue_indirect_dma source(%arg13 : memref<80x64xf32, #tpu.memory_space<vmem>>) target(%dma_start3A_225 : memref<10000x64xf32, #tpu.memory_space<vmem_shared>>) offsets(%dma_start3A_222 : memref<80xi32, #tpu.memory_space<vmem>>) semaphore(%arg26 : memref<!tpu.dma_semaphore, #tpu.memory_space<semaphore_mem>>) {add = true}
      } else {
      }
      %mul3A_125 = arith.constant 6 : i32
      %mul3A_126 = arith.muli %mul3A_125, %scan3A_110 : i32
      %add3A_127 = arith.constant 1 : i32
      %add3A_128 = arith.addi %mul3A_126, %add3A_127 : i32
      %lt3A_129 = arith.constant 250 : i32
      %lt3A_130 = arith.cmpi slt, %add3A_128, %lt3A_129 : i32
      %convert_element_type3A_131 = arith.extui %lt3A_130 : i1 to i32
      %cond3A_132 = arith.constant 0 : i32
      %cond3A_133 = arith.cmpi ne, %convert_element_type3A_131, %cond3A_132 : i32
      scf.if %cond3A_133 {
        %ge3A_210 = arith.constant 6 : i32
        %ge3A_211 = arith.cmpi sge, %add3A_128, %ge3A_210 : i32
        %convert_element_type3A_212 = arith.extui %ge3A_211 : i1 to i32
        %cond3A_213 = arith.constant 0 : i32
        %cond3A_214 = arith.cmpi ne, %convert_element_type3A_212, %cond3A_213 : i32
        scf.if %cond3A_214 {
          %sub3A_228 = arith.constant 6 : i32
          %sub3A_229 = arith.subi %add3A_128, %sub3A_228 : i32
          %mul3A_230 = arith.constant 80 : i32
          %mul3A_231 = arith.muli %sub3A_229, %mul3A_230 : i32
          %dma_wait3A_232 = tpu.memref_slice %arg9[%mul3A_231] : memref<20000xi32, #tpu.memory_space<vmem>> -> memref<80xi32, #tpu.memory_space<vmem>>
          %dma_wait3A_233 = arith.constant 0 : i32
          %dma_wait3A_234 = arith.constant 0 : i32
          %dma_wait3A_235 = tpu.memref_slice %arg16[%dma_wait3A_233, %dma_wait3A_234] : memref<10000x64xf32, #tpu.memory_space<vmem_shared>> -> memref<10000x64xf32, #tpu.memory_space<vmem_shared>>
          tpu.wait_indirect_dma semaphore(%arg24 : memref<!tpu.dma_semaphore, #tpu.memory_space<semaphore_mem>>) src(%arg11 : memref<80x64xf32, #tpu.memory_space<vmem>>) dst(%dma_wait3A_235 : memref<10000x64xf32, #tpu.memory_space<vmem_shared>>)
        } else {
        }
        %mul3A_215 = arith.constant 80 : i32
        %mul3A_216 = arith.muli %add3A_128, %mul3A_215 : i32
        %dma_start3A_217 = tpu.memref_slice %arg8[%mul3A_216] : memref<20000xi32, #tpu.memory_space<vmem>> -> memref<80xi32, #tpu.memory_space<vmem>>
        %dma_start3A_218 = arith.constant 0 : i32
        %dma_start3A_219 = tpu.memref_slice %arg2[%arg0, %dma_start3A_218] : memref<20000x64xf32, #tpu.memory_space<hbm>> -> memref<19999x64xf32, #tpu.memory_space<hbm>>
        %dma_start3A_220 = arith.constant 0 : i32
        %dma_start3A_221 = arith.constant 0 : i32
        %dma_start3A_222 = tpu.memref_slice %dma_start3A_219[%dma_start3A_220, %dma_start3A_221] : memref<19999x64xf32, #tpu.memory_space<hbm>> -> memref<19999x64xf32, #tpu.memory_space<hbm>>
        tpu.enqueue_indirect_dma source(%dma_start3A_222 : memref<19999x64xf32, #tpu.memory_space<hbm>>) target(%arg11 : memref<80x64xf32, #tpu.memory_space<vmem>>) offsets(%dma_start3A_217 : memref<80xi32, #tpu.memory_space<vmem>>) semaphore(%arg18 : memref<!tpu.dma_semaphore, #tpu.memory_space<semaphore_mem>>)
        %eq3A_223 = arith.constant 0 : i32
        %eq3A_224 = arith.cmpi eq, %arg0, %eq3A_223 : i32
        %convert_element_type3A_225 = arith.extui %eq3A_224 : i1 to i32
        %cond3A_226 = arith.constant 0 : i32
        %cond3A_227 = arith.cmpi ne, %convert_element_type3A_225, %cond3A_226 : i32
        scf.if %cond3A_227 {
          %mul3A_228 = arith.constant 80 : i32
          %mul3A_229 = arith.muli %add3A_128, %mul3A_228 : i32
          %add3A_230 = arith.constant 0 : i32
          %add3A_231 = arith.addi %mul3A_229, %add3A_230 : i32
          %get3A = arith.index_cast %add3A_231 : i32 to index
          %get3A_232 = tpu.vector_load %arg9[%get3A] {strides = array<i32>} : memref<20000xi32, #tpu.memory_space<vmem>>, vector<16xi32>,
          tpu.vector_store_idx %arg7[%get3A_232], %broadcast_in_dim3A_2 {add = true} : memref<10000xf32, #tpu.memory_space<vmem>>[vector<16xi32>], vector<16xf32>,
          %mul3A_233 = arith.constant 80 : i32
          %mul3A_234 = arith.muli %add3A_128, %mul3A_233 : i32
          %add3A_235 = arith.constant 16 : i32
          %add3A_236 = arith.addi %mul3A_234, %add3A_235 : i32
          %get3A_237 = arith.index_cast %add3A_236 : i32 to index
          %get3A_238 = tpu.vector_load %arg9[%get3A_237] {strides = array<i32>} : memref<20000xi32, #tpu.memory_space<vmem>>, vector<16xi32>,
          tpu.vector_store_idx %arg7[%get3A_238], %broadcast_in_dim3A_2 {add = true} : memref<10000xf32, #tpu.memory_space<vmem>>[vector<16xi32>], vector<16xf32>,
          %mul3A_239 = arith.constant 80 : i32
          %mul3A_240 = arith.muli %add3A_128, %mul3A_239 : i32
          %add3A_241 = arith.constant 32 : i32
          %add3A_242 = arith.addi %mul3A_240, %add3A_241 : i32
          %get3A_243 = arith.index_cast %add3A_242 : i32 to index
          %get3A_244 = tpu.vector_load %arg9[%get3A_243] {strides = array<i32>} : memref<20000xi32, #tpu.memory_space<vmem>>, vector<16xi32>,
          tpu.vector_store_idx %arg7[%get3A_244], %broadcast_in_dim3A_2 {add = true} : memref<10000xf32, #tpu.memory_space<vmem>>[vector<16xi32>], vector<16xf32>,
          %mul3A_245 = arith.constant 80 : i32
          %mul3A_246 = arith.muli %add3A_128, %mul3A_245 : i32
          %add3A_247 = arith.constant 48 : i32
          %add3A_248 = arith.addi %mul3A_246, %add3A_247 : i32
          %get3A_249 = arith.index_cast %add3A_248 : i32 to index
          %get3A_250 = tpu.vector_load %arg9[%get3A_249] {strides = array<i32>} : memref<20000xi32, #tpu.memory_space<vmem>>, vector<16xi32>,
          tpu.vector_store_idx %arg7[%get3A_250], %broadcast_in_dim3A_2 {add = true} : memref<10000xf32, #tpu.memory_space<vmem>>[vector<16xi32>], vector<16xf32>,
          %mul3A_251 = arith.constant 80 : i32
          %mul3A_252 = arith.muli %add3A_128, %mul3A_251 : i32
          %add3A_253 = arith.constant 64 : i32
          %add3A_254 = arith.addi %mul3A_252, %add3A_253 : i32
          %get3A_255 = arith.index_cast %add3A_254 : i32 to index
          %get3A_256 = tpu.vector_load %arg9[%get3A_255] {strides = array<i32>} : memref<20000xi32, #tpu.memory_space<vmem>>, vector<16xi32>,
          tpu.vector_store_idx %arg7[%get3A_256], %broadcast_in_dim3A_2 {add = true} : memref<10000xf32, #tpu.memory_space<vmem>>[vector<16xi32>], vector<16xf32>,
        } else {
        }
      } else {
      }
      %ge3A_134 = arith.constant 3 : i32
      %ge3A_135 = arith.cmpi sge, %add3A_128, %ge3A_134 : i32
      %lt3A_136 = arith.constant 253 : i32
      %lt3A_137 = arith.cmpi slt, %add3A_128, %lt3A_136 : i32
      %and3A_138 = arith.andi %ge3A_135, %lt3A_137 : i1
      %convert_element_type3A_139 = arith.extui %and3A_138 : i1 to i32
      %cond3A_140 = arith.constant 0 : i32
      %cond3A_141 = arith.cmpi ne, %convert_element_type3A_139, %cond3A_140 : i32
      scf.if %cond3A_141 {
        %sub3A_210 = arith.constant 3 : i32
        %sub3A_211 = arith.subi %add3A_128, %sub3A_210 : i32
        %mul3A_212 = arith.constant 80 : i32
        %mul3A_213 = arith.muli %sub3A_211, %mul3A_212 : i32
        %dma_wait3A_214 = tpu.memref_slice %arg8[%mul3A_213] : memref<20000xi32, #tpu.memory_space<vmem>> -> memref<80xi32, #tpu.memory_space<vmem>>
        %dma_wait3A_215 = arith.constant 0 : i32
        %dma_wait3A_216 = tpu.memref_slice %arg2[%arg0, %dma_wait3A_215] : memref<20000x64xf32, #tpu.memory_space<hbm>> -> memref<19999x64xf32, #tpu.memory_space<hbm>>
        %dma_wait3A_217 = arith.constant 0 : i32
        %dma_wait3A_218 = arith.constant 0 : i32
        %dma_wait3A_219 = tpu.memref_slice %dma_wait3A_216[%dma_wait3A_217, %dma_wait3A_218] : memref<19999x64xf32, #tpu.memory_space<hbm>> -> memref<19999x64xf32, #tpu.memory_space<hbm>>
        tpu.wait_indirect_dma semaphore(%arg21 : memref<!tpu.dma_semaphore, #tpu.memory_space<semaphore_mem>>) src(%dma_wait3A_219 : memref<19999x64xf32, #tpu.memory_space<hbm>>) dst(%arg14 : memref<80x64xf32, #tpu.memory_space<vmem>>)
        %mul3A_220 = arith.constant 80 : i32
        %mul3A_221 = arith.muli %sub3A_211, %mul3A_220 : i32
        %dma_start3A_222 = tpu.memref_slice %arg9[%mul3A_221] : memref<20000xi32, #tpu.memory_space<vmem>> -> memref<80xi32, #tpu.memory_space<vmem>>
        %dma_start3A_223 = arith.constant 0 : i32
        %dma_start3A_224 = arith.constant 0 : i32
        %dma_start3A_225 = tpu.memref_slice %arg16[%dma_start3A_223, %dma_start3A_224] : memref<10000x64xf32, #tpu.memory_space<vmem_shared>> -> memref<10000x64xf32, #tpu.memory_space<vmem_shared>>
        tpu.enqueue_indirect_dma source(%arg14 : memref<80x64xf32, #tpu.memory_space<vmem>>) target(%dma_start3A_225 : memref<10000x64xf32, #tpu.memory_space<vmem_shared>>) offsets(%dma_start3A_222 : memref<80xi32, #tpu.memory_space<vmem>>) semaphore(%arg27 : memref<!tpu.dma_semaphore, #tpu.memory_space<semaphore_mem>>) {add = true}
      } else {
      }
      %mul3A_142 = arith.constant 6 : i32
      %mul3A_143 = arith.muli %mul3A_142, %scan3A_110 : i32
      %add3A_144 = arith.constant 2 : i32
      %add3A_145 = arith.addi %mul3A_143, %add3A_144 : i32
      %lt3A_146 = arith.constant 250 : i32
      %lt3A_147 = arith.cmpi slt, %add3A_145, %lt3A_146 : i32
      %convert_element_type3A_148 = arith.extui %lt3A_147 : i1 to i32
      %cond3A_149 = arith.constant 0 : i32
      %cond3A_150 = arith.cmpi ne, %convert_element_type3A_148, %cond3A_149 : i32
      scf.if %cond3A_150 {
        %ge3A_210 = arith.constant 6 : i32
        %ge3A_211 = arith.cmpi sge, %add3A_145, %ge3A_210 : i32
        %convert_element_type3A_212 = arith.extui %ge3A_211 : i1 to i32
        %cond3A_213 = arith.constant 0 : i32
        %cond3A_214 = arith.cmpi ne, %convert_element_type3A_212, %cond3A_213 : i32
        scf.if %cond3A_214 {
          %sub3A_228 = arith.constant 6 : i32
          %sub3A_229 = arith.subi %add3A_145, %sub3A_228 : i32
          %mul3A_230 = arith.constant 80 : i32
          %mul3A_231 = arith.muli %sub3A_229, %mul3A_230 : i32
          %dma_wait3A_232 = tpu.memref_slice %arg9[%mul3A_231] : memref<20000xi32, #tpu.memory_space<vmem>> -> memref<80xi32, #tpu.memory_space<vmem>>
          %dma_wait3A_233 = arith.constant 0 : i32
          %dma_wait3A_234 = arith.constant 0 : i32
          %dma_wait3A_235 = tpu.memref_slice %arg16[%dma_wait3A_233, %dma_wait3A_234] : memref<10000x64xf32, #tpu.memory_space<vmem_shared>> -> memref<10000x64xf32, #tpu.memory_space<vmem_shared>>
          tpu.wait_indirect_dma semaphore(%arg25 : memref<!tpu.dma_semaphore, #tpu.memory_space<semaphore_mem>>) src(%arg12 : memref<80x64xf32, #tpu.memory_space<vmem>>) dst(%dma_wait3A_235 : memref<10000x64xf32, #tpu.memory_space<vmem_shared>>)
        } else {
        }
        %mul3A_215 = arith.constant 80 : i32
        %mul3A_216 = arith.muli %add3A_145, %mul3A_215 : i32
        %dma_start3A_217 = tpu.memref_slice %arg8[%mul3A_216] : memref<20000xi32, #tpu.memory_space<vmem>> -> memref<80xi32, #tpu.memory_space<vmem>>
        %dma_start3A_218 = arith.constant 0 : i32
        %dma_start3A_219 = tpu.memref_slice %arg2[%arg0, %dma_start3A_218] : memref<20000x64xf32, #tpu.memory_space<hbm>> -> memref<19999x64xf32, #tpu.memory_space<hbm>>
        %dma_start3A_220 = arith.constant 0 : i32
        %dma_start3A_221 = arith.constant 0 : i32
        %dma_start3A_222 = tpu.memref_slice %dma_start3A_219[%dma_start3A_220, %dma_start3A_221] : memref<19999x64xf32, #tpu.memory_space<hbm>> -> memref<19999x64xf32, #tpu.memory_space<hbm>>
        tpu.enqueue_indirect_dma source(%dma_start3A_222 : memref<19999x64xf32, #tpu.memory_space<hbm>>) target(%arg12 : memref<80x64xf32, #tpu.memory_space<vmem>>) offsets(%dma_start3A_217 : memref<80xi32, #tpu.memory_space<vmem>>) semaphore(%arg19 : memref<!tpu.dma_semaphore, #tpu.memory_space<semaphore_mem>>)
        %eq3A_223 = arith.constant 0 : i32
        %eq3A_224 = arith.cmpi eq, %arg0, %eq3A_223 : i32
        %convert_element_type3A_225 = arith.extui %eq3A_224 : i1 to i32
        %cond3A_226 = arith.constant 0 : i32
        %cond3A_227 = arith.cmpi ne, %convert_element_type3A_225, %cond3A_226 : i32
        scf.if %cond3A_227 {
          %mul3A_228 = arith.constant 80 : i32
          %mul3A_229 = arith.muli %add3A_145, %mul3A_228 : i32
          %add3A_230 = arith.constant 0 : i32
          %add3A_231 = arith.addi %mul3A_229, %add3A_230 : i32
          %get3A = arith.index_cast %add3A_231 : i32 to index
          %get3A_232 = tpu.vector_load %arg9[%get3A] {strides = array<i32>} : memref<20000xi32, #tpu.memory_space<vmem>>, vector<16xi32>,
          tpu.vector_store_idx %arg7[%get3A_232], %broadcast_in_dim3A_2 {add = true} : memref<10000xf32, #tpu.memory_space<vmem>>[vector<16xi32>], vector<16xf32>,
          %mul3A_233 = arith.constant 80 : i32
          %mul3A_234 = arith.muli %add3A_145, %mul3A_233 : i32
          %add3A_235 = arith.constant 16 : i32
          %add3A_236 = arith.addi %mul3A_234, %add3A_235 : i32
          %get3A_237 = arith.index_cast %add3A_236 : i32 to index
          %get3A_238 = tpu.vector_load %arg9[%get3A_237] {strides = array<i32>} : memref<20000xi32, #tpu.memory_space<vmem>>, vector<16xi32>,
          tpu.vector_store_idx %arg7[%get3A_238], %broadcast_in_dim3A_2 {add = true} : memref<10000xf32, #tpu.memory_space<vmem>>[vector<16xi32>], vector<16xf32>,
          %mul3A_239 = arith.constant 80 : i32
          %mul3A_240 = arith.muli %add3A_145, %mul3A_239 : i32
          %add3A_241 = arith.constant 32 : i32
          %add3A_242 = arith.addi %mul3A_240, %add3A_241 : i32
          %get3A_243 = arith.index_cast %add3A_242 : i32 to index
          %get3A_244 = tpu.vector_load %arg9[%get3A_243] {strides = array<i32>} : memref<20000xi32, #tpu.memory_space<vmem>>, vector<16xi32>,
          tpu.vector_store_idx %arg7[%get3A_244], %broadcast_in_dim3A_2 {add = true} : memref<10000xf32, #tpu.memory_space<vmem>>[vector<16xi32>], vector<16xf32>,
          %mul3A_245 = arith.constant 80 : i32
          %mul3A_246 = arith.muli %add3A_145, %mul3A_245 : i32
          %add3A_247 = arith.constant 48 : i32
          %add3A_248 = arith.addi %mul3A_246, %add3A_247 : i32
          %get3A_249 = arith.index_cast %add3A_248 : i32 to index
          %get3A_250 = tpu.vector_load %arg9[%get3A_249] {strides = array<i32>} : memref<20000xi32, #tpu.memory_space<vmem>>, vector<16xi32>,
          tpu.vector_store_idx %arg7[%get3A_250], %broadcast_in_dim3A_2 {add = true} : memref<10000xf32, #tpu.memory_space<vmem>>[vector<16xi32>], vector<16xf32>,
          %mul3A_251 = arith.constant 80 : i32
          %mul3A_252 = arith.muli %add3A_145, %mul3A_251 : i32
          %add3A_253 = arith.constant 64 : i32
          %add3A_254 = arith.addi %mul3A_252, %add3A_253 : i32
          %get3A_255 = arith.index_cast %add3A_254 : i32 to index
          %get3A_256 = tpu.vector_load %arg9[%get3A_255] {strides = array<i32>} : memref<20000xi32, #tpu.memory_space<vmem>>, vector<16xi32>,
          tpu.vector_store_idx %arg7[%get3A_256], %broadcast_in_dim3A_2 {add = true} : memref<10000xf32, #tpu.memory_space<vmem>>[vector<16xi32>], vector<16xf32>,
        } else {
        }
      } else {
      }
      %ge3A_151 = arith.constant 3 : i32
      %ge3A_152 = arith.cmpi sge, %add3A_145, %ge3A_151 : i32
      %lt3A_153 = arith.constant 253 : i32
      %lt3A_154 = arith.cmpi slt, %add3A_145, %lt3A_153 : i32
      %and3A_155 = arith.andi %ge3A_152, %lt3A_154 : i1
      %convert_element_type3A_156 = arith.extui %and3A_155 : i1 to i32
      %cond3A_157 = arith.constant 0 : i32
      %cond3A_158 = arith.cmpi ne, %convert_element_type3A_156, %cond3A_157 : i32
      scf.if %cond3A_158 {
        %sub3A_210 = arith.constant 3 : i32
        %sub3A_211 = arith.subi %add3A_145, %sub3A_210 : i32
        %mul3A_212 = arith.constant 80 : i32
        %mul3A_213 = arith.muli %sub3A_211, %mul3A_212 : i32
        %dma_wait3A_214 = tpu.memref_slice %arg8[%mul3A_213] : memref<20000xi32, #tpu.memory_space<vmem>> -> memref<80xi32, #tpu.memory_space<vmem>>
        %dma_wait3A_215 = arith.constant 0 : i32
        %dma_wait3A_216 = tpu.memref_slice %arg2[%arg0, %dma_wait3A_215] : memref<20000x64xf32, #tpu.memory_space<hbm>> -> memref<19999x64xf32, #tpu.memory_space<hbm>>
        %dma_wait3A_217 = arith.constant 0 : i32
        %dma_wait3A_218 = arith.constant 0 : i32
        %dma_wait3A_219 = tpu.memref_slice %dma_wait3A_216[%dma_wait3A_217, %dma_wait3A_218] : memref<19999x64xf32, #tpu.memory_space<hbm>> -> memref<19999x64xf32, #tpu.memory_space<hbm>>
        tpu.wait_indirect_dma semaphore(%arg22 : memref<!tpu.dma_semaphore, #tpu.memory_space<semaphore_mem>>) src(%dma_wait3A_219 : memref<19999x64xf32, #tpu.memory_space<hbm>>) dst(%arg15 : memref<80x64xf32, #tpu.memory_space<vmem>>)
        %mul3A_220 = arith.constant 80 : i32
        %mul3A_221 = arith.muli %sub3A_211, %mul3A_220 : i32
        %dma_start3A_222 = tpu.memref_slice %arg9[%mul3A_221] : memref<20000xi32, #tpu.memory_space<vmem>> -> memref<80xi32, #tpu.memory_space<vmem>>
        %dma_start3A_223 = arith.constant 0 : i32
        %dma_start3A_224 = arith.constant 0 : i32
        %dma_start3A_225 = tpu.memref_slice %arg16[%dma_start3A_223, %dma_start3A_224] : memref<10000x64xf32, #tpu.memory_space<vmem_shared>> -> memref<10000x64xf32, #tpu.memory_space<vmem_shared>>
        tpu.enqueue_indirect_dma source(%arg15 : memref<80x64xf32, #tpu.memory_space<vmem>>) target(%dma_start3A_225 : memref<10000x64xf32, #tpu.memory_space<vmem_shared>>) offsets(%dma_start3A_222 : memref<80xi32, #tpu.memory_space<vmem>>) semaphore(%arg28 : memref<!tpu.dma_semaphore, #tpu.memory_space<semaphore_mem>>) {add = true}
      } else {
      }
      %mul3A_159 = arith.constant 6 : i32
      %mul3A_160 = arith.muli %mul3A_159, %scan3A_110 : i32
      %add3A_161 = arith.constant 3 : i32
      %add3A_162 = arith.addi %mul3A_160, %add3A_161 : i32
      %lt3A_163 = arith.constant 250 : i32
      %lt3A_164 = arith.cmpi slt, %add3A_162, %lt3A_163 : i32
      %convert_element_type3A_165 = arith.extui %lt3A_164 : i1 to i32
      %cond3A_166 = arith.constant 0 : i32
      %cond3A_167 = arith.cmpi ne, %convert_element_type3A_165, %cond3A_166 : i32
      scf.if %cond3A_167 {
        %ge3A_210 = arith.constant 6 : i32
        %ge3A_211 = arith.cmpi sge, %add3A_162, %ge3A_210 : i32
        %convert_element_type3A_212 = arith.extui %ge3A_211 : i1 to i32
        %cond3A_213 = arith.constant 0 : i32
        %cond3A_214 = arith.cmpi ne, %convert_element_type3A_212, %cond3A_213 : i32
        scf.if %cond3A_214 {
          %sub3A_228 = arith.constant 6 : i32
          %sub3A_229 = arith.subi %add3A_162, %sub3A_228 : i32
          %mul3A_230 = arith.constant 80 : i32
          %mul3A_231 = arith.muli %sub3A_229, %mul3A_230 : i32
          %dma_wait3A_232 = tpu.memref_slice %arg9[%mul3A_231] : memref<20000xi32, #tpu.memory_space<vmem>> -> memref<80xi32, #tpu.memory_space<vmem>>
          %dma_wait3A_233 = arith.constant 0 : i32
          %dma_wait3A_234 = arith.constant 0 : i32
          %dma_wait3A_235 = tpu.memref_slice %arg16[%dma_wait3A_233, %dma_wait3A_234] : memref<10000x64xf32, #tpu.memory_space<vmem_shared>> -> memref<10000x64xf32, #tpu.memory_space<vmem_shared>>
          tpu.wait_indirect_dma semaphore(%arg26 : memref<!tpu.dma_semaphore, #tpu.memory_space<semaphore_mem>>) src(%arg13 : memref<80x64xf32, #tpu.memory_space<vmem>>) dst(%dma_wait3A_235 : memref<10000x64xf32, #tpu.memory_space<vmem_shared>>)
        } else {
        }
        %mul3A_215 = arith.constant 80 : i32
        %mul3A_216 = arith.muli %add3A_162, %mul3A_215 : i32
        %dma_start3A_217 = tpu.memref_slice %arg8[%mul3A_216] : memref<20000xi32, #tpu.memory_space<vmem>> -> memref<80xi32, #tpu.memory_space<vmem>>
        %dma_start3A_218 = arith.constant 0 : i32
        %dma_start3A_219 = tpu.memref_slice %arg2[%arg0, %dma_start3A_218] : memref<20000x64xf32, #tpu.memory_space<hbm>> -> memref<19999x64xf32, #tpu.memory_space<hbm>>
        %dma_start3A_220 = arith.constant 0 : i32
        %dma_start3A_221 = arith.constant 0 : i32
        %dma_start3A_222 = tpu.memref_slice %dma_start3A_219[%dma_start3A_220, %dma_start3A_221] : memref<19999x64xf32, #tpu.memory_space<hbm>> -> memref<19999x64xf32, #tpu.memory_space<hbm>>
        tpu.enqueue_indirect_dma source(%dma_start3A_222 : memref<19999x64xf32, #tpu.memory_space<hbm>>) target(%arg13 : memref<80x64xf32, #tpu.memory_space<vmem>>) offsets(%dma_start3A_217 : memref<80xi32, #tpu.memory_space<vmem>>) semaphore(%arg20 : memref<!tpu.dma_semaphore, #tpu.memory_space<semaphore_mem>>)
        %eq3A_223 = arith.constant 0 : i32
        %eq3A_224 = arith.cmpi eq, %arg0, %eq3A_223 : i32
        %convert_element_type3A_225 = arith.extui %eq3A_224 : i1 to i32
        %cond3A_226 = arith.constant 0 : i32
        %cond3A_227 = arith.cmpi ne, %convert_element_type3A_225, %cond3A_226 : i32
        scf.if %cond3A_227 {
          %mul3A_228 = arith.constant 80 : i32
          %mul3A_229 = arith.muli %add3A_162, %mul3A_228 : i32
          %add3A_230 = arith.constant 0 : i32
          %add3A_231 = arith.addi %mul3A_229, %add3A_230 : i32
          %get3A = arith.index_cast %add3A_231 : i32 to index
          %get3A_232 = tpu.vector_load %arg9[%get3A] {strides = array<i32>} : memref<20000xi32, #tpu.memory_space<vmem>>, vector<16xi32>,
          tpu.vector_store_idx %arg7[%get3A_232], %broadcast_in_dim3A_2 {add = true} : memref<10000xf32, #tpu.memory_space<vmem>>[vector<16xi32>], vector<16xf32>,
          %mul3A_233 = arith.constant 80 : i32
          %mul3A_234 = arith.muli %add3A_162, %mul3A_233 : i32
          %add3A_235 = arith.constant 16 : i32
          %add3A_236 = arith.addi %mul3A_234, %add3A_235 : i32
          %get3A_237 = arith.index_cast %add3A_236 : i32 to index
          %get3A_238 = tpu.vector_load %arg9[%get3A_237] {strides = array<i32>} : memref<20000xi32, #tpu.memory_space<vmem>>, vector<16xi32>,
          tpu.vector_store_idx %arg7[%get3A_238], %broadcast_in_dim3A_2 {add = true} : memref<10000xf32, #tpu.memory_space<vmem>>[vector<16xi32>], vector<16xf32>,
          %mul3A_239 = arith.constant 80 : i32
          %mul3A_240 = arith.muli %add3A_162, %mul3A_239 : i32
          %add3A_241 = arith.constant 32 : i32
          %add3A_242 = arith.addi %mul3A_240, %add3A_241 : i32
          %get3A_243 = arith.index_cast %add3A_242 : i32 to index
          %get3A_244 = tpu.vector_load %arg9[%get3A_243] {strides = array<i32>} : memref<20000xi32, #tpu.memory_space<vmem>>, vector<16xi32>,
          tpu.vector_store_idx %arg7[%get3A_244], %broadcast_in_dim3A_2 {add = true} : memref<10000xf32, #tpu.memory_space<vmem>>[vector<16xi32>], vector<16xf32>,
          %mul3A_245 = arith.constant 80 : i32
          %mul3A_246 = arith.muli %add3A_162, %mul3A_245 : i32
          %add3A_247 = arith.constant 48 : i32
          %add3A_248 = arith.addi %mul3A_246, %add3A_247 : i32
          %get3A_249 = arith.index_cast %add3A_248 : i32 to index
          %get3A_250 = tpu.vector_load %arg9[%get3A_249] {strides = array<i32>} : memref<20000xi32, #tpu.memory_space<vmem>>, vector<16xi32>,
          tpu.vector_store_idx %arg7[%get3A_250], %broadcast_in_dim3A_2 {add = true} : memref<10000xf32, #tpu.memory_space<vmem>>[vector<16xi32>], vector<16xf32>,
          %mul3A_251 = arith.constant 80 : i32
          %mul3A_252 = arith.muli %add3A_162, %mul3A_251 : i32
          %add3A_253 = arith.constant 64 : i32
          %add3A_254 = arith.addi %mul3A_252, %add3A_253 : i32
          %get3A_255 = arith.index_cast %add3A_254 : i32 to index
          %get3A_256 = tpu.vector_load %arg9[%get3A_255] {strides = array<i32>} : memref<20000xi32, #tpu.memory_space<vmem>>, vector<16xi32>,
          tpu.vector_store_idx %arg7[%get3A_256], %broadcast_in_dim3A_2 {add = true} : memref<10000xf32, #tpu.memory_space<vmem>>[vector<16xi32>], vector<16xf32>,
        } else {
        }
      } else {
      }
      %ge3A_168 = arith.constant 3 : i32
      %ge3A_169 = arith.cmpi sge, %add3A_162, %ge3A_168 : i32
      %lt3A_170 = arith.constant 253 : i32
      %lt3A_171 = arith.cmpi slt, %add3A_162, %lt3A_170 : i32
      %and3A_172 = arith.andi %ge3A_169, %lt3A_171 : i1
      %convert_element_type3A_173 = arith.extui %and3A_172 : i1 to i32
      %cond3A_174 = arith.constant 0 : i32
      %cond3A_175 = arith.cmpi ne, %convert_element_type3A_173, %cond3A_174 : i32
      scf.if %cond3A_175 {
        %sub3A_210 = arith.constant 3 : i32
        %sub3A_211 = arith.subi %add3A_162, %sub3A_210 : i32
        %mul3A_212 = arith.constant 80 : i32
        %mul3A_213 = arith.muli %sub3A_211, %mul3A_212 : i32
        %dma_wait3A_214 = tpu.memref_slice %arg8[%mul3A_213] : memref<20000xi32, #tpu.memory_space<vmem>> -> memref<80xi32, #tpu.memory_space<vmem>>
        %dma_wait3A_215 = arith.constant 0 : i32
        %dma_wait3A_216 = tpu.memref_slice %arg2[%arg0, %dma_wait3A_215] : memref<20000x64xf32, #tpu.memory_space<hbm>> -> memref<19999x64xf32, #tpu.memory_space<hbm>>
        %dma_wait3A_217 = arith.constant 0 : i32
        %dma_wait3A_218 = arith.constant 0 : i32
        %dma_wait3A_219 = tpu.memref_slice %dma_wait3A_216[%dma_wait3A_217, %dma_wait3A_218] : memref<19999x64xf32, #tpu.memory_space<hbm>> -> memref<19999x64xf32, #tpu.memory_space<hbm>>
        tpu.wait_indirect_dma semaphore(%arg17 : memref<!tpu.dma_semaphore, #tpu.memory_space<semaphore_mem>>) src(%dma_wait3A_219 : memref<19999x64xf32, #tpu.memory_space<hbm>>) dst(%arg10 : memref<80x64xf32, #tpu.memory_space<vmem>>)
        %mul3A_220 = arith.constant 80 : i32
        %mul3A_221 = arith.muli %sub3A_211, %mul3A_220 : i32
        %dma_start3A_222 = tpu.memref_slice %arg9[%mul3A_221] : memref<20000xi32, #tpu.memory_space<vmem>> -> memref<80xi32, #tpu.memory_space<vmem>>
        %dma_start3A_223 = arith.constant 0 : i32
        %dma_start3A_224 = arith.constant 0 : i32
        %dma_start3A_225 = tpu.memref_slice %arg16[%dma_start3A_223, %dma_start3A_224] : memref<10000x64xf32, #tpu.memory_space<vmem_shared>> -> memref<10000x64xf32, #tpu.memory_space<vmem_shared>>
        tpu.enqueue_indirect_dma source(%arg10 : memref<80x64xf32, #tpu.memory_space<vmem>>) target(%dma_start3A_225 : memref<10000x64xf32, #tpu.memory_space<vmem_shared>>) offsets(%dma_start3A_222 : memref<80xi32, #tpu.memory_space<vmem>>) semaphore(%arg23 : memref<!tpu.dma_semaphore, #tpu.memory_space<semaphore_mem>>) {add = true}
      } else {
      }
      %mul3A_176 = arith.constant 6 : i32
      %mul3A_177 = arith.muli %mul3A_176, %scan3A_110 : i32
      %add3A_178 = arith.constant 4 : i32
      %add3A_179 = arith.addi %mul3A_177, %add3A_178 : i32
      %lt3A_180 = arith.constant 250 : i32
      %lt3A_181 = arith.cmpi slt, %add3A_179, %lt3A_180 : i32
      %convert_element_type3A_182 = arith.extui %lt3A_181 : i1 to i32
      %cond3A_183 = arith.constant 0 : i32
      %cond3A_184 = arith.cmpi ne, %convert_element_type3A_182, %cond3A_183 : i32
      scf.if %cond3A_184 {
        %ge3A_210 = arith.constant 6 : i32
        %ge3A_211 = arith.cmpi sge, %add3A_179, %ge3A_210 : i32
        %convert_element_type3A_212 = arith.extui %ge3A_211 : i1 to i32
        %cond3A_213 = arith.constant 0 : i32
        %cond3A_214 = arith.cmpi ne, %convert_element_type3A_212, %cond3A_213 : i32
        scf.if %cond3A_214 {
          %sub3A_228 = arith.constant 6 : i32
          %sub3A_229 = arith.subi %add3A_179, %sub3A_228 : i32
          %mul3A_230 = arith.constant 80 : i32
          %mul3A_231 = arith.muli %sub3A_229, %mul3A_230 : i32
          %dma_wait3A_232 = tpu.memref_slice %arg9[%mul3A_231] : memref<20000xi32, #tpu.memory_space<vmem>> -> memref<80xi32, #tpu.memory_space<vmem>>
          %dma_wait3A_233 = arith.constant 0 : i32
          %dma_wait3A_234 = arith.constant 0 : i32
          %dma_wait3A_235 = tpu.memref_slice %arg16[%dma_wait3A_233, %dma_wait3A_234] : memref<10000x64xf32, #tpu.memory_space<vmem_shared>> -> memref<10000x64xf32, #tpu.memory_space<vmem_shared>>
          tpu.wait_indirect_dma semaphore(%arg27 : memref<!tpu.dma_semaphore, #tpu.memory_space<semaphore_mem>>) src(%arg14 : memref<80x64xf32, #tpu.memory_space<vmem>>) dst(%dma_wait3A_235 : memref<10000x64xf32, #tpu.memory_space<vmem_shared>>)
        } else {
        }
        %mul3A_215 = arith.constant 80 : i32
        %mul3A_216 = arith.muli %add3A_179, %mul3A_215 : i32
        %dma_start3A_217 = tpu.memref_slice %arg8[%mul3A_216] : memref<20000xi32, #tpu.memory_space<vmem>> -> memref<80xi32, #tpu.memory_space<vmem>>
        %dma_start3A_218 = arith.constant 0 : i32
        %dma_start3A_219 = tpu.memref_slice %arg2[%arg0, %dma_start3A_218] : memref<20000x64xf32, #tpu.memory_space<hbm>> -> memref<19999x64xf32, #tpu.memory_space<hbm>>
        %dma_start3A_220 = arith.constant 0 : i32
        %dma_start3A_221 = arith.constant 0 : i32
        %dma_start3A_222 = tpu.memref_slice %dma_start3A_219[%dma_start3A_220, %dma_start3A_221] : memref<19999x64xf32, #tpu.memory_space<hbm>> -> memref<19999x64xf32, #tpu.memory_space<hbm>>
        tpu.enqueue_indirect_dma source(%dma_start3A_222 : memref<19999x64xf32, #tpu.memory_space<hbm>>) target(%arg14 : memref<80x64xf32, #tpu.memory_space<vmem>>) offsets(%dma_start3A_217 : memref<80xi32, #tpu.memory_space<vmem>>) semaphore(%arg21 : memref<!tpu.dma_semaphore, #tpu.memory_space<semaphore_mem>>)
        %eq3A_223 = arith.constant 0 : i32
        %eq3A_224 = arith.cmpi eq, %arg0, %eq3A_223 : i32
        %convert_element_type3A_225 = arith.extui %eq3A_224 : i1 to i32
        %cond3A_226 = arith.constant 0 : i32
        %cond3A_227 = arith.cmpi ne, %convert_element_type3A_225, %cond3A_226 : i32
        scf.if %cond3A_227 {
          %mul3A_228 = arith.constant 80 : i32
          %mul3A_229 = arith.muli %add3A_179, %mul3A_228 : i32
          %add3A_230 = arith.constant 0 : i32
          %add3A_231 = arith.addi %mul3A_229, %add3A_230 : i32
          %get3A = arith.index_cast %add3A_231 : i32 to index
          %get3A_232 = tpu.vector_load %arg9[%get3A] {strides = array<i32>} : memref<20000xi32, #tpu.memory_space<vmem>>, vector<16xi32>,
          tpu.vector_store_idx %arg7[%get3A_232], %broadcast_in_dim3A_2 {add = true} : memref<10000xf32, #tpu.memory_space<vmem>>[vector<16xi32>], vector<16xf32>,
          %mul3A_233 = arith.constant 80 : i32
          %mul3A_234 = arith.muli %add3A_179, %mul3A_233 : i32
          %add3A_235 = arith.constant 16 : i32
          %add3A_236 = arith.addi %mul3A_234, %add3A_235 : i32
          %get3A_237 = arith.index_cast %add3A_236 : i32 to index
          %get3A_238 = tpu.vector_load %arg9[%get3A_237] {strides = array<i32>} : memref<20000xi32, #tpu.memory_space<vmem>>, vector<16xi32>,
          tpu.vector_store_idx %arg7[%get3A_238], %broadcast_in_dim3A_2 {add = true} : memref<10000xf32, #tpu.memory_space<vmem>>[vector<16xi32>], vector<16xf32>,
          %mul3A_239 = arith.constant 80 : i32
          %mul3A_240 = arith.muli %add3A_179, %mul3A_239 : i32
          %add3A_241 = arith.constant 32 : i32
          %add3A_242 = arith.addi %mul3A_240, %add3A_241 : i32
          %get3A_243 = arith.index_cast %add3A_242 : i32 to index
          %get3A_244 = tpu.vector_load %arg9[%get3A_243] {strides = array<i32>} : memref<20000xi32, #tpu.memory_space<vmem>>, vector<16xi32>,
          tpu.vector_store_idx %arg7[%get3A_244], %broadcast_in_dim3A_2 {add = true} : memref<10000xf32, #tpu.memory_space<vmem>>[vector<16xi32>], vector<16xf32>,
          %mul3A_245 = arith.constant 80 : i32
          %mul3A_246 = arith.muli %add3A_179, %mul3A_245 : i32
          %add3A_247 = arith.constant 48 : i32
          %add3A_248 = arith.addi %mul3A_246, %add3A_247 : i32
          %get3A_249 = arith.index_cast %add3A_248 : i32 to index
          %get3A_250 = tpu.vector_load %arg9[%get3A_249] {strides = array<i32>} : memref<20000xi32, #tpu.memory_space<vmem>>, vector<16xi32>,
          tpu.vector_store_idx %arg7[%get3A_250], %broadcast_in_dim3A_2 {add = true} : memref<10000xf32, #tpu.memory_space<vmem>>[vector<16xi32>], vector<16xf32>,
          %mul3A_251 = arith.constant 80 : i32
          %mul3A_252 = arith.muli %add3A_179, %mul3A_251 : i32
          %add3A_253 = arith.constant 64 : i32
          %add3A_254 = arith.addi %mul3A_252, %add3A_253 : i32
          %get3A_255 = arith.index_cast %add3A_254 : i32 to index
          %get3A_256 = tpu.vector_load %arg9[%get3A_255] {strides = array<i32>} : memref<20000xi32, #tpu.memory_space<vmem>>, vector<16xi32>,
          tpu.vector_store_idx %arg7[%get3A_256], %broadcast_in_dim3A_2 {add = true} : memref<10000xf32, #tpu.memory_space<vmem>>[vector<16xi32>], vector<16xf32>,
        } else {
        }
      } else {
      }
      %ge3A_185 = arith.constant 3 : i32
      %ge3A_186 = arith.cmpi sge, %add3A_179, %ge3A_185 : i32
      %lt3A_187 = arith.constant 253 : i32
      %lt3A_188 = arith.cmpi slt, %add3A_179, %lt3A_187 : i32
      %and3A_189 = arith.andi %ge3A_186, %lt3A_188 : i1
      %convert_element_type3A_190 = arith.extui %and3A_189 : i1 to i32
      %cond3A_191 = arith.constant 0 : i32
      %cond3A_192 = arith.cmpi ne, %convert_element_type3A_190, %cond3A_191 : i32
      scf.if %cond3A_192 {
        %sub3A_210 = arith.constant 3 : i32
        %sub3A_211 = arith.subi %add3A_179, %sub3A_210 : i32
        %mul3A_212 = arith.constant 80 : i32
        %mul3A_213 = arith.muli %sub3A_211, %mul3A_212 : i32
        %dma_wait3A_214 = tpu.memref_slice %arg8[%mul3A_213] : memref<20000xi32, #tpu.memory_space<vmem>> -> memref<80xi32, #tpu.memory_space<vmem>>
        %dma_wait3A_215 = arith.constant 0 : i32
        %dma_wait3A_216 = tpu.memref_slice %arg2[%arg0, %dma_wait3A_215] : memref<20000x64xf32, #tpu.memory_space<hbm>> -> memref<19999x64xf32, #tpu.memory_space<hbm>>
        %dma_wait3A_217 = arith.constant 0 : i32
        %dma_wait3A_218 = arith.constant 0 : i32
        %dma_wait3A_219 = tpu.memref_slice %dma_wait3A_216[%dma_wait3A_217, %dma_wait3A_218] : memref<19999x64xf32, #tpu.memory_space<hbm>> -> memref<19999x64xf32, #tpu.memory_space<hbm>>
        tpu.wait_indirect_dma semaphore(%arg18 : memref<!tpu.dma_semaphore, #tpu.memory_space<semaphore_mem>>) src(%dma_wait3A_219 : memref<19999x64xf32, #tpu.memory_space<hbm>>) dst(%arg11 : memref<80x64xf32, #tpu.memory_space<vmem>>)
        %mul3A_220 = arith.constant 80 : i32
        %mul3A_221 = arith.muli %sub3A_211, %mul3A_220 : i32
        %dma_start3A_222 = tpu.memref_slice %arg9[%mul3A_221] : memref<20000xi32, #tpu.memory_space<vmem>> -> memref<80xi32, #tpu.memory_space<vmem>>
        %dma_start3A_223 = arith.constant 0 : i32
        %dma_start3A_224 = arith.constant 0 : i32
        %dma_start3A_225 = tpu.memref_slice %arg16[%dma_start3A_223, %dma_start3A_224] : memref<10000x64xf32, #tpu.memory_space<vmem_shared>> -> memref<10000x64xf32, #tpu.memory_space<vmem_shared>>
        tpu.enqueue_indirect_dma source(%arg11 : memref<80x64xf32, #tpu.memory_space<vmem>>) target(%dma_start3A_225 : memref<10000x64xf32, #tpu.memory_space<vmem_shared>>) offsets(%dma_start3A_222 : memref<80xi32, #tpu.memory_space<vmem>>) semaphore(%arg24 : memref<!tpu.dma_semaphore, #tpu.memory_space<semaphore_mem>>) {add = true}
      } else {
      }
      %mul3A_193 = arith.constant 6 : i32
      %mul3A_194 = arith.muli %mul3A_193, %scan3A_110 : i32
      %add3A_195 = arith.constant 5 : i32
      %add3A_196 = arith.addi %mul3A_194, %add3A_195 : i32
      %lt3A_197 = arith.constant 250 : i32
      %lt3A_198 = arith.cmpi slt, %add3A_196, %lt3A_197 : i32
      %convert_element_type3A_199 = arith.extui %lt3A_198 : i1 to i32
      %cond3A_200 = arith.constant 0 : i32
      %cond3A_201 = arith.cmpi ne, %convert_element_type3A_199, %cond3A_200 : i32
      scf.if %cond3A_201 {
        %ge3A_210 = arith.constant 6 : i32
        %ge3A_211 = arith.cmpi sge, %add3A_196, %ge3A_210 : i32
        %convert_element_type3A_212 = arith.extui %ge3A_211 : i1 to i32
        %cond3A_213 = arith.constant 0 : i32
        %cond3A_214 = arith.cmpi ne, %convert_element_type3A_212, %cond3A_213 : i32
        scf.if %cond3A_214 {
          %sub3A_228 = arith.constant 6 : i32
          %sub3A_229 = arith.subi %add3A_196, %sub3A_228 : i32
          %mul3A_230 = arith.constant 80 : i32
          %mul3A_231 = arith.muli %sub3A_229, %mul3A_230 : i32
          %dma_wait3A_232 = tpu.memref_slice %arg9[%mul3A_231] : memref<20000xi32, #tpu.memory_space<vmem>> -> memref<80xi32, #tpu.memory_space<vmem>>
          %dma_wait3A_233 = arith.constant 0 : i32
          %dma_wait3A_234 = arith.constant 0 : i32
          %dma_wait3A_235 = tpu.memref_slice %arg16[%dma_wait3A_233, %dma_wait3A_234] : memref<10000x64xf32, #tpu.memory_space<vmem_shared>> -> memref<10000x64xf32, #tpu.memory_space<vmem_shared>>
          tpu.wait_indirect_dma semaphore(%arg28 : memref<!tpu.dma_semaphore, #tpu.memory_space<semaphore_mem>>) src(%arg15 : memref<80x64xf32, #tpu.memory_space<vmem>>) dst(%dma_wait3A_235 : memref<10000x64xf32, #tpu.memory_space<vmem_shared>>)
        } else {
        }
        %mul3A_215 = arith.constant 80 : i32
        %mul3A_216 = arith.muli %add3A_196, %mul3A_215 : i32
        %dma_start3A_217 = tpu.memref_slice %arg8[%mul3A_216] : memref<20000xi32, #tpu.memory_space<vmem>> -> memref<80xi32, #tpu.memory_space<vmem>>
        %dma_start3A_218 = arith.constant 0 : i32
        %dma_start3A_219 = tpu.memref_slice %arg2[%arg0, %dma_start3A_218] : memref<20000x64xf32, #tpu.memory_space<hbm>> -> memref<19999x64xf32, #tpu.memory_space<hbm>>
        %dma_start3A_220 = arith.constant 0 : i32
        %dma_start3A_221 = arith.constant 0 : i32
        %dma_start3A_222 = tpu.memref_slice %dma_start3A_219[%dma_start3A_220, %dma_start3A_221] : memref<19999x64xf32, #tpu.memory_space<hbm>> -> memref<19999x64xf32, #tpu.memory_space<hbm>>
        tpu.enqueue_indirect_dma source(%dma_start3A_222 : memref<19999x64xf32, #tpu.memory_space<hbm>>) target(%arg15 : memref<80x64xf32, #tpu.memory_space<vmem>>) offsets(%dma_start3A_217 : memref<80xi32, #tpu.memory_space<vmem>>) semaphore(%arg22 : memref<!tpu.dma_semaphore, #tpu.memory_space<semaphore_mem>>)
        %eq3A_223 = arith.constant 0 : i32
        %eq3A_224 = arith.cmpi eq, %arg0, %eq3A_223 : i32
        %convert_element_type3A_225 = arith.extui %eq3A_224 : i1 to i32
        %cond3A_226 = arith.constant 0 : i32
        %cond3A_227 = arith.cmpi ne, %convert_element_type3A_225, %cond3A_226 : i32
        scf.if %cond3A_227 {
          %mul3A_228 = arith.constant 80 : i32
          %mul3A_229 = arith.muli %add3A_196, %mul3A_228 : i32
          %add3A_230 = arith.constant 0 : i32
          %add3A_231 = arith.addi %mul3A_229, %add3A_230 : i32
          %get3A = arith.index_cast %add3A_231 : i32 to index
          %get3A_232 = tpu.vector_load %arg9[%get3A] {strides = array<i32>} : memref<20000xi32, #tpu.memory_space<vmem>>, vector<16xi32>,
          tpu.vector_store_idx %arg7[%get3A_232], %broadcast_in_dim3A_2 {add = true} : memref<10000xf32, #tpu.memory_space<vmem>>[vector<16xi32>], vector<16xf32>,
          %mul3A_233 = arith.constant 80 : i32
          %mul3A_234 = arith.muli %add3A_196, %mul3A_233 : i32
          %add3A_235 = arith.constant 16 : i32
          %add3A_236 = arith.addi %mul3A_234, %add3A_235 : i32
          %get3A_237 = arith.index_cast %add3A_236 : i32 to index
          %get3A_238 = tpu.vector_load %arg9[%get3A_237] {strides = array<i32>} : memref<20000xi32, #tpu.memory_space<vmem>>, vector<16xi32>,
          tpu.vector_store_idx %arg7[%get3A_238], %broadcast_in_dim3A_2 {add = true} : memref<10000xf32, #tpu.memory_space<vmem>>[vector<16xi32>], vector<16xf32>,
          %mul3A_239 = arith.constant 80 : i32
          %mul3A_240 = arith.muli %add3A_196, %mul3A_239 : i32
          %add3A_241 = arith.constant 32 : i32
          %add3A_242 = arith.addi %mul3A_240, %add3A_241 : i32
          %get3A_243 = arith.index_cast %add3A_242 : i32 to index
          %get3A_244 = tpu.vector_load %arg9[%get3A_243] {strides = array<i32>} : memref<20000xi32, #tpu.memory_space<vmem>>, vector<16xi32>,
          tpu.vector_store_idx %arg7[%get3A_244], %broadcast_in_dim3A_2 {add = true} : memref<10000xf32, #tpu.memory_space<vmem>>[vector<16xi32>], vector<16xf32>,
          %mul3A_245 = arith.constant 80 : i32
          %mul3A_246 = arith.muli %add3A_196, %mul3A_245 : i32
          %add3A_247 = arith.constant 48 : i32
          %add3A_248 = arith.addi %mul3A_246, %add3A_247 : i32
          %get3A_249 = arith.index_cast %add3A_248 : i32 to index
          %get3A_250 = tpu.vector_load %arg9[%get3A_249] {strides = array<i32>} : memref<20000xi32, #tpu.memory_space<vmem>>, vector<16xi32>,
          tpu.vector_store_idx %arg7[%get3A_250], %broadcast_in_dim3A_2 {add = true} : memref<10000xf32, #tpu.memory_space<vmem>>[vector<16xi32>], vector<16xf32>,
          %mul3A_251 = arith.constant 80 : i32
          %mul3A_252 = arith.muli %add3A_196, %mul3A_251 : i32
          %add3A_253 = arith.constant 64 : i32
          %add3A_254 = arith.addi %mul3A_252, %add3A_253 : i32
          %get3A_255 = arith.index_cast %add3A_254 : i32 to index
          %get3A_256 = tpu.vector_load %arg9[%get3A_255] {strides = array<i32>} : memref<20000xi32, #tpu.memory_space<vmem>>, vector<16xi32>,
          tpu.vector_store_idx %arg7[%get3A_256], %broadcast_in_dim3A_2 {add = true} : memref<10000xf32, #tpu.memory_space<vmem>>[vector<16xi32>], vector<16xf32>,
        } else {
        }
      } else {
      }
      %ge3A_202 = arith.constant 3 : i32
      %ge3A_203 = arith.cmpi sge, %add3A_196, %ge3A_202 : i32
      %lt3A_204 = arith.constant 253 : i32
      %lt3A_205 = arith.cmpi slt, %add3A_196, %lt3A_204 : i32
      %and3A_206 = arith.andi %ge3A_203, %lt3A_205 : i1
      %convert_element_type3A_207 = arith.extui %and3A_206 : i1 to i32
      %cond3A_208 = arith.constant 0 : i32
      %cond3A_209 = arith.cmpi ne, %convert_element_type3A_207, %cond3A_208 : i32
      scf.if %cond3A_209 {
        %sub3A_210 = arith.constant 3 : i32
        %sub3A_211 = arith.subi %add3A_196, %sub3A_210 : i32
        %mul3A_212 = arith.constant 80 : i32
        %mul3A_213 = arith.muli %sub3A_211, %mul3A_212 : i32
        %dma_wait3A_214 = tpu.memref_slice %arg8[%mul3A_213] : memref<20000xi32, #tpu.memory_space<vmem>> -> memref<80xi32, #tpu.memory_space<vmem>>
        %dma_wait3A_215 = arith.constant 0 : i32
        %dma_wait3A_216 = tpu.memref_slice %arg2[%arg0, %dma_wait3A_215] : memref<20000x64xf32, #tpu.memory_space<hbm>> -> memref<19999x64xf32, #tpu.memory_space<hbm>>
        %dma_wait3A_217 = arith.constant 0 : i32
        %dma_wait3A_218 = arith.constant 0 : i32
        %dma_wait3A_219 = tpu.memref_slice %dma_wait3A_216[%dma_wait3A_217, %dma_wait3A_218] : memref<19999x64xf32, #tpu.memory_space<hbm>> -> memref<19999x64xf32, #tpu.memory_space<hbm>>
        tpu.wait_indirect_dma semaphore(%arg19 : memref<!tpu.dma_semaphore, #tpu.memory_space<semaphore_mem>>) src(%dma_wait3A_219 : memref<19999x64xf32, #tpu.memory_space<hbm>>) dst(%arg12 : memref<80x64xf32, #tpu.memory_space<vmem>>)
        %mul3A_220 = arith.constant 80 : i32
        %mul3A_221 = arith.muli %sub3A_211, %mul3A_220 : i32
        %dma_start3A_222 = tpu.memref_slice %arg9[%mul3A_221] : memref<20000xi32, #tpu.memory_space<vmem>> -> memref<80xi32, #tpu.memory_space<vmem>>
        %dma_start3A_223 = arith.constant 0 : i32
        %dma_start3A_224 = arith.constant 0 : i32
        %dma_start3A_225 = tpu.memref_slice %arg16[%dma_start3A_223, %dma_start3A_224] : memref<10000x64xf32, #tpu.memory_space<vmem_shared>> -> memref<10000x64xf32, #tpu.memory_space<vmem_shared>>
        tpu.enqueue_indirect_dma source(%arg12 : memref<80x64xf32, #tpu.memory_space<vmem>>) target(%dma_start3A_225 : memref<10000x64xf32, #tpu.memory_space<vmem_shared>>) offsets(%dma_start3A_222 : memref<80xi32, #tpu.memory_space<vmem>>) semaphore(%arg25 : memref<!tpu.dma_semaphore, #tpu.memory_space<semaphore_mem>>) {add = true}
      } else {
      }
    }
    %scan3A_62 = arith.constant 43 : i32
    %dma_wait3A_63 = arith.constant 19520 : i32
    %dma_wait3A_64 = tpu.memref_slice %arg9[%dma_wait3A_63] : memref<20000xi32, #tpu.memory_space<vmem>> -> memref<80xi32, #tpu.memory_space<vmem>>
    %dma_wait3A_65 = arith.constant 0 : i32
    %dma_wait3A_66 = arith.constant 0 : i32
    %dma_wait3A_67 = tpu.memref_slice %arg16[%dma_wait3A_65, %dma_wait3A_66] : memref<10000x64xf32, #tpu.memory_space<vmem_shared>> -> memref<10000x64xf32, #tpu.memory_space<vmem_shared>>
    tpu.wait_indirect_dma semaphore(%arg27 : memref<!tpu.dma_semaphore, #tpu.memory_space<semaphore_mem>>) src(%arg14 : memref<80x64xf32, #tpu.memory_space<vmem>>) dst(%dma_wait3A_67 : memref<10000x64xf32, #tpu.memory_space<vmem_shared>>)
    %dma_wait3A_68 = arith.constant 19600 : i32
    %dma_wait3A_69 = tpu.memref_slice %arg9[%dma_wait3A_68] : memref<20000xi32, #tpu.memory_space<vmem>> -> memref<80xi32, #tpu.memory_space<vmem>>
    %dma_wait3A_70 = arith.constant 0 : i32
    %dma_wait3A_71 = arith.constant 0 : i32
    %dma_wait3A_72 = tpu.memref_slice %arg16[%dma_wait3A_70, %dma_wait3A_71] : memref<10000x64xf32, #tpu.memory_space<vmem_shared>> -> memref<10000x64xf32, #tpu.memory_space<vmem_shared>>
    tpu.wait_indirect_dma semaphore(%arg28 : memref<!tpu.dma_semaphore, #tpu.memory_space<semaphore_mem>>) src(%arg15 : memref<80x64xf32, #tpu.memory_space<vmem>>) dst(%dma_wait3A_72 : memref<10000x64xf32, #tpu.memory_space<vmem_shared>>)
    %dma_wait3A_73 = arith.constant 19680 : i32
    %dma_wait3A_74 = tpu.memref_slice %arg9[%dma_wait3A_73] : memref<20000xi32, #tpu.memory_space<vmem>> -> memref<80xi32, #tpu.memory_space<vmem>>
    %dma_wait3A_75 = arith.constant 0 : i32
    %dma_wait3A_76 = arith.constant 0 : i32
    %dma_wait3A_77 = tpu.memref_slice %arg16[%dma_wait3A_75, %dma_wait3A_76] : memref<10000x64xf32, #tpu.memory_space<vmem_shared>> -> memref<10000x64xf32, #tpu.memory_space<vmem_shared>>
    tpu.wait_indirect_dma semaphore(%arg23 : memref<!tpu.dma_semaphore, #tpu.memory_space<semaphore_mem>>) src(%arg10 : memref<80x64xf32, #tpu.memory_space<vmem>>) dst(%dma_wait3A_77 : memref<10000x64xf32, #tpu.memory_space<vmem_shared>>)
    %dma_wait3A_78 = arith.constant 19760 : i32
    %dma_wait3A_79 = tpu.memref_slice %arg9[%dma_wait3A_78] : memref<20000xi32, #tpu.memory_space<vmem>> -> memref<80xi32, #tpu.memory_space<vmem>>
    %dma_wait3A_80 = arith.constant 0 : i32
    %dma_wait3A_81 = arith.constant 0 : i32
    %dma_wait3A_82 = tpu.memref_slice %arg16[%dma_wait3A_80, %dma_wait3A_81] : memref<10000x64xf32, #tpu.memory_space<vmem_shared>> -> memref<10000x64xf32, #tpu.memory_space<vmem_shared>>
    tpu.wait_indirect_dma semaphore(%arg24 : memref<!tpu.dma_semaphore, #tpu.memory_space<semaphore_mem>>) src(%arg11 : memref<80x64xf32, #tpu.memory_space<vmem>>) dst(%dma_wait3A_82 : memref<10000x64xf32, #tpu.memory_space<vmem_shared>>)
    %dma_wait3A_83 = arith.constant 19840 : i32
    %dma_wait3A_84 = tpu.memref_slice %arg9[%dma_wait3A_83] : memref<20000xi32, #tpu.memory_space<vmem>> -> memref<80xi32, #tpu.memory_space<vmem>>
    %dma_wait3A_85 = arith.constant 0 : i32
    %dma_wait3A_86 = arith.constant 0 : i32
    %dma_wait3A_87 = tpu.memref_slice %arg16[%dma_wait3A_85, %dma_wait3A_86] : memref<10000x64xf32, #tpu.memory_space<vmem_shared>> -> memref<10000x64xf32, #tpu.memory_space<vmem_shared>>
    tpu.wait_indirect_dma semaphore(%arg25 : memref<!tpu.dma_semaphore, #tpu.memory_space<semaphore_mem>>) src(%arg12 : memref<80x64xf32, #tpu.memory_space<vmem>>) dst(%dma_wait3A_87 : memref<10000x64xf32, #tpu.memory_space<vmem_shared>>)
    %dma_wait3A_88 = arith.constant 19920 : i32
    %dma_wait3A_89 = tpu.memref_slice %arg9[%dma_wait3A_88] : memref<20000xi32, #tpu.memory_space<vmem>> -> memref<80xi32, #tpu.memory_space<vmem>>
    %dma_wait3A_90 = arith.constant 0 : i32
    %dma_wait3A_91 = arith.constant 0 : i32
    %dma_wait3A_92 = tpu.memref_slice %arg16[%dma_wait3A_90, %dma_wait3A_91] : memref<10000x64xf32, #tpu.memory_space<vmem_shared>> -> memref<10000x64xf32, #tpu.memory_space<vmem_shared>>
    tpu.wait_indirect_dma semaphore(%arg26 : memref<!tpu.dma_semaphore, #tpu.memory_space<semaphore_mem>>) src(%arg13 : memref<80x64xf32, #tpu.memory_space<vmem>>) dst(%dma_wait3A_92 : memref<10000x64xf32, #tpu.memory_space<vmem_shared>>)
    %barrier3A_93 = arith.constant 0 : index
    tpu.barrier barrier_id(%barrier3A_93)
    %mul3A_94 = arith.constant 64 : i32
    %mul3A_95 = arith.muli %arg0, %mul3A_94 : i32
    %mul3A_96 = arith.constant 624 : i32
    %mul3A_97 = arith.muli %arg1, %mul3A_96 : i32
    %mul3A_98 = arith.constant 624 : i32
    %mul3A_99 = arith.muli %arg1, %mul3A_98 : i32
    "tpu.region"() ({
      %run_scoped3A = tpu.sem_alloc : memref<!tpu.dma_semaphore, #tpu.memory_space<semaphore_mem>>
      %dma_start3A_110 = arith.constant 0 : i32
      %dma_start3A_111 = tpu.memref_slice %arg5[%dma_start3A_110, %mul3A_95] : memref<10000x128xf32, #tpu.memory_space<hbm>> -> memref<10000x64xf32, #tpu.memory_space<hbm>>
      %dma_start3A_112 = arith.constant 0 : i32
      %dma_start3A_113 = tpu.memref_slice %dma_start3A_111[%mul3A_99, %dma_start3A_112] : memref<10000x64xf32, #tpu.memory_space<hbm>> -> memref<624x64xf32, #tpu.memory_space<hbm>>
      %dma_start3A_114 = arith.constant 0 : i32
      %dma_start3A_115 = tpu.memref_slice %arg16[%mul3A_97, %dma_start3A_114] : memref<10000x64xf32, #tpu.memory_space<vmem_shared>> -> memref<624x64xf32, #tpu.memory_space<vmem_shared>>
      tpu.enqueue_dma source(%dma_start3A_115 : memref<624x64xf32, #tpu.memory_space<vmem_shared>>) target(%dma_start3A_113 : memref<624x64xf32, #tpu.memory_space<hbm>>) target_semaphore(%run_scoped3A : memref<!tpu.dma_semaphore, #tpu.memory_space<semaphore_mem>>)
      %dma_wait3A_116 = arith.constant 0 : i32
      %dma_wait3A_117 = tpu.memref_slice %arg5[%dma_wait3A_116, %mul3A_95] : memref<10000x128xf32, #tpu.memory_space<hbm>> -> memref<10000x64xf32, #tpu.memory_space<hbm>>
      %dma_wait3A_118 = arith.constant 0 : i32
      %dma_wait3A_119 = tpu.memref_slice %dma_wait3A_117[%mul3A_99, %dma_wait3A_118] : memref<10000x64xf32, #tpu.memory_space<hbm>> -> memref<624x64xf32, #tpu.memory_space<hbm>>
      %dma_wait3A_120 = arith.constant 0 : i32
      %dma_wait3A_121 = tpu.memref_slice %arg16[%mul3A_97, %dma_wait3A_120] : memref<10000x64xf32, #tpu.memory_space<vmem_shared>> -> memref<624x64xf32, #tpu.memory_space<vmem_shared>>
      tpu.wait_dma2 semaphore(%run_scoped3A : memref<!tpu.dma_semaphore, #tpu.memory_space<semaphore_mem>>) src(%dma_wait3A_121 : memref<624x64xf32, #tpu.memory_space<vmem_shared>>) dst(%dma_wait3A_119 : memref<624x64xf32, #tpu.memory_space<hbm>>)
      tpu.yield
    }) : () -> ()
    %eq3A_100 = arith.constant 15 : i32
    %eq3A_101 = arith.cmpi eq, %arg1, %eq3A_100 : i32
    %convert_element_type3A_102 = arith.extui %eq3A_101 : i1 to i32
    %cond3A_103 = arith.constant 0 : i32
    %cond3A_104 = arith.cmpi ne, %convert_element_type3A_102, %cond3A_103 : i32
    scf.if %cond3A_104 {
      "tpu.region"() ({
        %run_scoped3A = tpu.sem_alloc : memref<!tpu.dma_semaphore, #tpu.memory_space<semaphore_mem>>
        %dma_start3A_110 = arith.constant 0 : i32
        %dma_start3A_111 = tpu.memref_slice %arg5[%dma_start3A_110, %mul3A_95] : memref<10000x128xf32, #tpu.memory_space<hbm>> -> memref<10000x64xf32, #tpu.memory_space<hbm>>
        %dma_start3A_112 = arith.constant 9984 : i32
        %dma_start3A_113 = arith.constant 0 : i32
        %dma_start3A_114 = tpu.memref_slice %dma_start3A_111[%dma_start3A_112, %dma_start3A_113] : memref<10000x64xf32, #tpu.memory_space<hbm>> -> memref<16x64xf32, #tpu.memory_space<hbm>>
        %dma_start3A_115 = arith.constant 9984 : i32
        %dma_start3A_116 = arith.constant 0 : i32
        %dma_start3A_117 = tpu.memref_slice %arg16[%dma_start3A_115, %dma_start3A_116] : memref<10000x64xf32, #tpu.memory_space<vmem_shared>> -> memref<16x64xf32, #tpu.memory_space<vmem_shared>>
        tpu.enqueue_dma source(%dma_start3A_117 : memref<16x64xf32, #tpu.memory_space<vmem_shared>>) target(%dma_start3A_114 : memref<16x64xf32, #tpu.memory_space<hbm>>) target_semaphore(%run_scoped3A : memref<!tpu.dma_semaphore, #tpu.memory_space<semaphore_mem>>)
        %dma_wait3A_118 = arith.constant 0 : i32
        %dma_wait3A_119 = tpu.memref_slice %arg5[%dma_wait3A_118, %mul3A_95] : memref<10000x128xf32, #tpu.memory_space<hbm>> -> memref<10000x64xf32, #tpu.memory_space<hbm>>
        %dma_wait3A_120 = arith.constant 9984 : i32
        %dma_wait3A_121 = arith.constant 0 : i32
        %dma_wait3A_122 = tpu.memref_slice %dma_wait3A_119[%dma_wait3A_120, %dma_wait3A_121] : memref<10000x64xf32, #tpu.memory_space<hbm>> -> memref<16x64xf32, #tpu.memory_space<hbm>>
        %dma_wait3A_123 = arith.constant 9984 : i32
        %dma_wait3A_124 = arith.constant 0 : i32
        %dma_wait3A_125 = tpu.memref_slice %arg16[%dma_wait3A_123, %dma_wait3A_124] : memref<10000x64xf32, #tpu.memory_space<vmem_shared>> -> memref<16x64xf32, #tpu.memory_space<vmem_shared>>
        tpu.wait_dma2 semaphore(%run_scoped3A : memref<!tpu.dma_semaphore, #tpu.memory_space<semaphore_mem>>) src(%dma_wait3A_125 : memref<16x64xf32, #tpu.memory_space<vmem_shared>>) dst(%dma_wait3A_122 : memref<16x64xf32, #tpu.memory_space<hbm>>)
        tpu.yield
      }) : () -> ()
    } else {
    }
    %eq3A_105 = arith.constant 0 : i32
    %eq3A_106 = arith.cmpi eq, %arg0, %eq3A_105 : i32
    %convert_element_type3A_107 = arith.extui %eq3A_106 : i1 to i32
    %cond3A_108 = arith.constant 0 : i32
    %cond3A_109 = arith.cmpi ne, %convert_element_type3A_107, %cond3A_108 : i32
    scf.if %cond3A_109 {
      "tpu.region"() ({
        %run_scoped3A = tpu.sem_alloc : memref<!tpu.dma_semaphore, #tpu.memory_space<semaphore_mem>>
        %dma_start3A_110 = arith.constant 0 : i32
        %dma_start3A_111 = tpu.memref_slice %arg6[%arg1, %dma_start3A_110] : memref<16x10000xf32, #tpu.memory_space<hbm>> -> memref<1x10000xf32, #tpu.memory_space<hbm>>
        %dma_start3A_112 = tpu.memref_squeeze %dma_start3A_111 : memref<1x10000xf32, #tpu.memory_space<hbm>> -> memref<10000xf32, #tpu.memory_space<hbm>>
        %dma_start3A_113 = arith.constant 0 : i32
        %dma_start3A_114 = tpu.memref_slice %arg6[%arg1, %dma_start3A_113] : memref<16x10000xf32, #tpu.memory_space<hbm>> -> memref<1x10000xf32, #tpu.memory_space<hbm>>
        %dma_start3A_115 = tpu.memref_squeeze %dma_start3A_114 : memref<1x10000xf32, #tpu.memory_space<hbm>> -> memref<10000xf32, #tpu.memory_space<hbm>>
        tpu.enqueue_dma source(%arg7 : memref<10000xf32, #tpu.memory_space<vmem>>) target(%dma_start3A_115 : memref<10000xf32, #tpu.memory_space<hbm>>) target_semaphore(%run_scoped3A : memref<!tpu.dma_semaphore, #tpu.memory_space<semaphore_mem>>)
        %dma_wait3A_116 = arith.constant 0 : i32
        %dma_wait3A_117 = tpu.memref_slice %arg6[%arg1, %dma_wait3A_116] : memref<16x10000xf32, #tpu.memory_space<hbm>> -> memref<1x10000xf32, #tpu.memory_space<hbm>>
        %dma_wait3A_118 = tpu.memref_squeeze %dma_wait3A_117 : memref<1x10000xf32, #tpu.memory_space<hbm>> -> memref<10000xf32, #tpu.memory_space<hbm>>
        %dma_wait3A_119 = arith.constant 0 : i32
        %dma_wait3A_120 = tpu.memref_slice %arg6[%arg1, %dma_wait3A_119] : memref<16x10000xf32, #tpu.memory_space<hbm>> -> memref<1x10000xf32, #tpu.memory_space<hbm>>
        %dma_wait3A_121 = tpu.memref_squeeze %dma_wait3A_120 : memref<1x10000xf32, #tpu.memory_space<hbm>> -> memref<10000xf32, #tpu.memory_space<hbm>>
        tpu.wait_dma2 semaphore(%run_scoped3A : memref<!tpu.dma_semaphore, #tpu.memory_space<semaphore_mem>>) src(%arg7 : memref<10000xf32, #tpu.memory_space<vmem>>) dst(%dma_wait3A_121 : memref<10000xf32, #tpu.memory_space<hbm>>)
        tpu.yield
      }) : () -> ()
    } else {
    }
    return
  }
}

module attributes {stable_mosaic.version = 14 : i64} {
  func.func @_tc_body(%arg0: i32, %arg1: memref<1000x128xf32, #tpu.memory_space<vmem>>, %arg2: memref<1000x128xf32, #tpu.memory_space<vmem>>, %arg3: memref<1000x16xf32, #tpu.memory_space<vmem>>, %arg4: memref<128x256xf32, #tpu.memory_space<vmem>>, %arg5: memref<1x128xf32, #tpu.memory_space<vmem>>, %arg6: memref<1000x128xf32, #tpu.memory_space<vmem>>) attributes {dimension_semantics = [#tpu.dimension_semantics<arbitrary>], iteration_bounds = array<i64: 10>, scalar_prefetch = 0 : i64, scratch_operands = 0 : i64, tpu.core_type = #tpu.core_type<tc>, window_params = [{transform_indices = @transform_0, window_bounds = array<i64: 1000, 128>}, {transform_indices = @transform_1, window_bounds = array<i64: 1000, 128>}, {transform_indices = @transform_2, window_bounds = array<i64: 1000, 16>}, {pipeline_mode = #tpu.pipeline_mode<synchronous>, transform_indices = @transform_3, window_bounds = array<i64: 128, 256>}, {pipeline_mode = #tpu.pipeline_mode<synchronous>, transform_indices = @transform_4, window_bounds = array<i64: 1, 128>}, {transform_indices = @transform_5, window_bounds = array<i64: 1000, 128>}]} {
    %get3A = arith.constant 0 : index
    %get3A_0 = arith.constant 0 : index
    %get3A_1 = vector.load %arg3[%get3A, %get3A_0] : memref<1000x16xf32, #tpu.memory_space<vmem>>, vector<1000x16xf32>
    %broadcast_in_dim3A = arith.constant 1.000000e+00 : f32
    %broadcast_in_dim3A_2 = vector.broadcast %broadcast_in_dim3A : f32 to vector<16x1xf32>
    %dot_general3A = arith.constant dense<0.000000e+00> : vector<1000x1xf32>
    %dot_general3A_3 = tpu.matmul %get3A_1, %broadcast_in_dim3A_2, %dot_general3A {dimension_numbers = #tpu.dot_dimension_numbers<[1], [0], [0], [1], [0, 0, 1, 1], [], []>, transpose_lhs_hint = false} : vector<1000x16xf32>, vector<16x1xf32>, vector<1000x1xf32> -> vector<1000x1xf32>
    %max3A = arith.constant 1.000000e+00 : f32
    %max3A_4 = vector.broadcast %max3A : f32 to vector<1000x1xf32>
    %max3A_5 = arith.maximumf %dot_general3A_3, %max3A_4 : vector<1000x1xf32>
    %div3A = arith.constant 1.000000e+00 : f32
    %div3A_6 = vector.broadcast %div3A : f32 to vector<1000x1xf32>
    %div3A_7 = arith.divf %div3A_6, %max3A_5 : vector<1000x1xf32>
    %get3A_8 = arith.constant 0 : index
    %get3A_9 = arith.constant 0 : index
    %get3A_10 = vector.load %arg2[%get3A_8, %get3A_9] : memref<1000x128xf32, #tpu.memory_space<vmem>>, vector<1000x128xf32>
    %mul3A = vector.broadcast %div3A_7 : vector<1000x1xf32> to vector<1000x128xf32>
    %mul3A_11 = arith.mulf %get3A_10, %mul3A : vector<1000x128xf32>
    %get3A_12 = arith.constant 0 : index
    %get3A_13 = arith.constant 0 : index
    %get3A_14 = vector.load %arg4[%get3A_12, %get3A_13] : memref<128x256xf32, #tpu.memory_space<vmem>>, vector<128x256xf32>
    %get3A_15 = arith.constant 0 : index
    %get3A_16 = arith.constant 0 : index
    %get3A_17 = vector.load %arg1[%get3A_15, %get3A_16] : memref<1000x128xf32, #tpu.memory_space<vmem>>, vector<1000x128xf32>
    %slice3A = vector.extract_strided_slice %get3A_14 {offsets = [0, 0], sizes = [128, 128], strides = [1, 1]} : vector<128x256xf32> to vector<128x128xf32>
    %dot_general3A_18 = arith.constant dense<0.000000e+00> : vector<1000x128xf32>
    %dot_general3A_19 = tpu.matmul %get3A_17, %slice3A, %dot_general3A_18 {dimension_numbers = #tpu.dot_dimension_numbers<[1], [1], [0], [0], [0, 0, 1, 0], [], []>, transpose_lhs_hint = false} : vector<1000x128xf32>, vector<128x128xf32>, vector<1000x128xf32> -> vector<1000x128xf32>
    %slice3A_20 = vector.extract_strided_slice %get3A_14 {offsets = [0, 128], sizes = [128, 128], strides = [1, 1]} : vector<128x256xf32> to vector<128x128xf32>
    %dot_general3A_21 = arith.constant dense<0.000000e+00> : vector<1000x128xf32>
    %dot_general3A_22 = tpu.matmul %mul3A_11, %slice3A_20, %dot_general3A_21 {dimension_numbers = #tpu.dot_dimension_numbers<[1], [1], [0], [0], [0, 0, 1, 0], [], []>, transpose_lhs_hint = false} : vector<1000x128xf32>, vector<128x128xf32>, vector<1000x128xf32> -> vector<1000x128xf32>
    %add3A = arith.addf %dot_general3A_19, %dot_general3A_22 : vector<1000x128xf32>
    %get3A_23 = arith.constant 0 : index
    %get3A_24 = arith.constant 0 : index
    %get3A_25 = vector.load %arg5[%get3A_23, %get3A_24] : memref<1x128xf32, #tpu.memory_space<vmem>>, vector<1x128xf32>
    %add3A_26 = vector.broadcast %get3A_25 : vector<1x128xf32> to vector<1000x128xf32>
    %add3A_27 = arith.addf %add3A, %add3A_26 : vector<1000x128xf32>
    %max3A_28 = arith.constant 0.000000e+00 : f32
    %max3A_29 = vector.broadcast %max3A_28 : f32 to vector<1000x128xf32>
    %max3A_30 = arith.maximumf %add3A_27, %max3A_29 : vector<1000x128xf32>
    %swap3A = arith.constant 0 : index
    %swap3A_31 = arith.constant 0 : index
    %swap3A_32 = vector.load %arg6[%swap3A, %swap3A_31] : memref<1000x128xf32, #tpu.memory_space<vmem>>, vector<1000x128xf32>
    tpu.vector_store %arg6[%swap3A, %swap3A_31], %max3A_30 {strides = array<i32>} : memref<1000x128xf32, #tpu.memory_space<vmem>>, vector<1000x128xf32>,
    return
  }
  func.func @transform_0(%arg0: i32) -> (i32, i32) {
    %c0_i32 = arith.constant 0 : i32
    %c0_i32_0 = arith.constant 0 : i32
    return %arg0, %c0_i32 : i32, i32
  }
  func.func @transform_1(%arg0: i32) -> (i32, i32) {
    %c0_i32 = arith.constant 0 : i32
    %c0_i32_0 = arith.constant 0 : i32
    return %arg0, %c0_i32 : i32, i32
  }
  func.func @transform_2(%arg0: i32) -> (i32, i32) {
    %c0_i32 = arith.constant 0 : i32
    %c0_i32_0 = arith.constant 0 : i32
    return %arg0, %c0_i32 : i32, i32
  }
  func.func @transform_3(%arg0: i32) -> (i32, i32) {
    %c0_i32 = arith.constant 0 : i32
    %c0_i32_0 = arith.constant 0 : i32
    %c0_i32_1 = arith.constant 0 : i32
    return %c0_i32, %c0_i32_0 : i32, i32
  }
  func.func @transform_4(%arg0: i32) -> (i32, i32) {
    %c0_i32 = arith.constant 0 : i32
    %c0_i32_0 = arith.constant 0 : i32
    %c0_i32_1 = arith.constant 0 : i32
    return %c0_i32, %c0_i32_0 : i32, i32
  }
  func.func @transform_5(%arg0: i32) -> (i32, i32) {
    %c0_i32 = arith.constant 0 : i32
    %c0_i32_0 = arith.constant 0 : i32
    return %arg0, %c0_i32 : i32, i32
  }
}

</mosaic_0001>

<sc_bundles>
// kernel: kernel.4.cloned.1.call-start
scs
__scs_entry_jumppad:
0x0: {  	(pc) =	sbr.rel $0x88, $3  }
0x1: {  	(tag) =	ssettag $0x0;
	lr =	simm.s32 $0x1  }
0x2: {  	[smem:$0x3F9D] =	sst lr;
	_ =	strace $0xD0000000  }
0x3: {  	_ = 	snop  }
0x4: {  	_ = 	snop  }
0x5: {  	_ = 	snop  }
0x6: {  	_ = 	snop  }
0x7: {  	_ = 	snop  }
__scs_overlays_trampoline_lowered:
0x8: {  	[smem:$0x3FAC] =	sst s0  }
0x9: {  	[smem:$0x3FAD] =	sst s1  }
0xa: {  	[smem:$0x3FAE] =	sst s2  }
0xb: {  	[smem:$0x3FAF] =	sst s3  }
0xc: {  	[smem:$0x3FB0] =	sst s4  }
0xd: {  	[smem:$0x3FB1] =	sst s5  }
0xe: {  	[smem:$0x3FB2] =	sst s6  }
0xf: {  	[smem:$0x3FB3] =	sst s7  }
0x10: {  	[smem:$0x3FB4] =	sst s8  }
0x11: {  	[smem:$0x3FB5] =	sst s9;
	s0 =	simm.s32 @!p0 $0x0  }
0x12: {  	s1 =	sld [smem:$0x3F9B];
	s0 =	simm.s32 @p0 $0x1  }
0x13: {  	[smem:$0x3FB6] =	sst s0;
	s0 =	simm.s32 @!p1 $0x0  }
0x14: {  	s2 =	sld [smem:$0x3F9A];
	s0 =	simm.s32 @p1 $0x1  }
0x15: {  	[smem:$0x3FB7] =	sst s0;
	s0 =	simm.s32 @!p2 $0x0  }
0x16: {  	s3 =	sld [smem:$0x3FDB];
	s0 =	simm.s32 @p2 $0x1  }
0x17: {  	s4 =	simm.s32 $0x1BF5;
	[smem:$0x3FB9] =	sst s0  }
0x18: {  	s0 =	sld [smem:$0x3F9C];
	_ =	swait.ge [sflag:s4], $0x0  }
0x19: {  	s7 =	sld [smem:$0x3F9D]  }
0x1a: {  	s8 =	sadd.s32 $0xFFFFE003, lr  }
0x1b: {  	s9 =	sadd.s32 $0xFFFFFEF7, lr;
	s5 =	simm.s32 $0xFFFFFFFF;
	p2 =	slt.u32 s8, $0xFFFFF086  }
0x1c: {  	p1 =	slt.u32 s9, $0xF7A;
	s5 =	simm.s32 @!p2 $0x0  }
0x1d: {  	s5 =	simm.s32 @p1 $0x1;
	p0 =	seq.s32 s7, s2  }
0x1e: {  	s7 =	smul.u32 @!p0 $0xF7A, s2;
	p2 =	seq.s32 @!p0 s5, $0x0  }
0x1f: {  	s9 =	smul.u32 $0xF7A, s1;
	s8 =	simm.s32 @!p0 $0x1BF5;
	p2 =	por !p2, p0  }
0x20: {  	[sflag:s8] =	ssyncset.s32 @!p0 $0xFFFFF086;
	s6 =	sadd.s32 @!p0 s3, s7;
	s7 =	simm.s32 @!p0 $0x108  }
0x21: {  	s3 =	sadd.s32 s3, s9;
	s6 =	sadd.s32 @!p0 $0x88, s6;
	s7 =	simm.s32 @p2 $0x1082  }
0x22: {  	[simem:s7], [sflag:s8] =	dma.local @!p0 [hbm:s6], $0xF7A  }
0x23: {  	s9 =	sor.u32 $0xD0000000, s2;
	s6 =	simm.s32 $0x108;
	_ =	swait.ge @!p0 [sflag:s8], $0x0  }
0x24: {  	s3 =	sadd.s32 $0x88, s3;
	s6 =	simm.s32 @!p1 $0x1082;
	[sflag:s4] =	ssyncset.s32 $0xFFFFF086  }
0x25: {  	[simem:s6], [sflag:s4] =	dma.local [hbm:s3], $0xF7A  }
0x26: {  	[smem:$0x3F9D] =	sst s1;
	(tag) =	ssettag s2;
	_ =	strace s9  }
0x27: {  	s1 =	sld [smem:$0x3FAD]  }
0x28: {  	s2 =	sld [smem:$0x3FAE]  }
0x29: {  	s4 =	sld [smem:$0x3FB0]  }
0x2a: {  	p0 =	seq.s32 s5, $0x0;
	s5 =	sld [smem:$0x3FB1]  }
0x2b: {  	s6 =	sld [smem:$0x3FB2]  }
0x2c: {  	s7 =	sld [smem:$0x3FB3]  }
0x2d: {  	s3 =	simm.s32 $0x108;
	s8 =	sld [smem:$0x3FB4]  }
0x2e: {  	s3 =	simm.s32 @!p0 $0x1082;
	s9 =	sld [smem:$0x3FB5]  }
0x2f: {  	lr =	sadd.s32 s0, s3;
	s0 =	sld [smem:$0x3FAC]  }
0x30: {  	s3 =	sld [smem:$0x3FAF]  }
0x31: {  	[smem:$0x3FB8] =	sst s10  }
0x32: {  	s10 =	sld [smem:$0x3FB6];
	_ =	sdelay $0x3  }
0x33: {  	p0 =	seq.s32 s10, $0x1;
	s10 =	sld [smem:$0x3FB8];
	_ =	sdelay $0x3  }
0x34: {  	[smem:$0x3FB8] =	sst s10  }
0x35: {  	s10 =	sld [smem:$0x3FB7];
	_ =	sdelay $0x3  }
0x36: {  	p1 =	seq.s32 s10, $0x1;
	s10 =	sld [smem:$0x3FB8];
	_ =	sdelay $0x3  }
0x37: {  	[smem:$0x3FB8] =	sst s10  }
0x38: {  	s10 =	sld [smem:$0x3FB9]  }
0x39: {  	_ = 	snop;
	(pc) =	sbr.ind lr, $3  }
0x3a: {  	_ = 	snop  }
0x3b: {  	_ = 	snop  }
0x3c: {  	p2 =	seq.s32 s10, $0x1;
	s10 =	sld [smem:$0x3FB8]  }
0x3d: {  	_ =	shalt  }
0x3e: {  	_ =	shalt  }
0x3f: {  	_ =	shalt  }
0x40: {  	_ =	shalt  }
0x41: {  	_ =	shalt  }
0x42: {  	_ =	shalt  }
0x43: {  	_ =	shalt  }
0x44: {  	_ =	shalt  }
0x45: {  	_ =	shalt  }
0x46: {  	_ =	shalt  }
0x47: {  	_ =	shalt  }
0x48: {  	_ =	shalt  }
0x49: {  	_ =	shalt  }
0x4a: {  	_ =	shalt  }
0x4b: {  	_ =	shalt  }
0x4c: {  	_ =	shalt  }
0x4d: {  	_ =	shalt  }
0x4e: {  	_ =	shalt  }
0x4f: {  	_ =	shalt  }
0x50: {  	_ =	shalt  }
0x51: {  	_ =	shalt  }
0x52: {  	_ =	shalt  }
0x53: {  	_ =	shalt  }
0x54: {  	_ =	shalt  }
0x55: {  	_ =	shalt  }
0x56: {  	_ =	shalt  }
0x57: {  	_ =	shalt  }
0x58: {  	_ =	shalt  }
0x59: {  	_ =	shalt  }
0x5a: {  	_ =	shalt  }
0x5b: {  	_ =	shalt  }
0x5c: {  	_ =	shalt  }
0x5d: {  	_ =	shalt  }
0x5e: {  	_ =	shalt  }
0x5f: {  	_ =	shalt  }
0x60: {  	_ =	shalt  }
0x61: {  	_ =	shalt  }
0x62: {  	_ =	shalt  }
0x63: {  	_ =	shalt  }
0x64: {  	_ =	shalt  }
0x65: {  	_ =	shalt  }
0x66: {  	_ =	shalt  }
0x67: {  	_ =	shalt  }
0x68: {  	_ =	shalt  }
0x69: {  	_ =	shalt  }
0x6a: {  	_ =	shalt  }
0x6b: {  	_ =	shalt  }
0x6c: {  	_ =	shalt  }
0x6d: {  	_ =	shalt  }
0x6e: {  	_ =	shalt  }
0x6f: {  	_ =	shalt  }
0x70: {  	_ =	shalt  }
0x71: {  	_ =	shalt  }
0x72: {  	_ =	shalt  }
0x73: {  	_ =	shalt  }
0x74: {  	_ =	shalt  }
0x75: {  	_ =	shalt  }
0x76: {  	_ =	shalt  }
0x77: {  	_ =	shalt  }
0x78: {  	_ =	shalt  }
0x79: {  	_ =	shalt  }
0x7a: {  	_ =	shalt  }
0x7b: {  	_ =	shalt  }
0x7c: {  	_ =	shalt  }
0x7d: {  	_ =	shalt  }
0x7e: {  	_ =	shalt  }
0x7f: {  	_ =	shalt  }
0x80: {  	_ =	shalt  }
0x81: {  	_ =	shalt  }
0x82: {  	_ =	shalt  }
0x83: {  	_ =	shalt  }
0x84: {  	_ =	shalt  }
0x85: {  	_ =	shalt  }
0x86: {  	_ =	shalt  }
0x87: {  	_ =	shalt  }
.Lfunc_end0:
.L_simem_size_0:
called_computation_lowered:
.L_overlay_start_0:
0x88: {  	s2 =	sld [smem:$0x3FD9]  }
0x89: {  	s3 =	sld [smem:$0x3FFE];
	_ =	sdelay $0x1  }
0x8a: {  	s1 =	srdreg.scid  }
0x8b: {  	s0 =	sand.u32 $0x1, s1  }
0x8c: {  	s17 =	sshll.u32 s0, $0xA;
	s2 =	sadd.s32 s3, s2  }
0x8d: {  	s2 =	sadd.s32 s2, s17  }
0x8e: {  	[smem:$0x3FC4] =	sst s2  }
0x8f: {  	_ = 	snop  }
0x90: {  	s2 =	sld [smem:$0x3FC9]  }
0x91: {  	s18 =	sld [smem:$0x3FD0];
	(tm) =	ssettm $0x1  }
0x92: {  	s4 =	sld [smem:$0x3FFB];
	_ =	sdelay $0x3  }
0x93: {  	_ =	strace s4  }
0x94: {  	s4 =	sld [smem:$0x3FFC];
	_ =	sdelay $0x3  }
0x95: {  	_ =	strace s4  }
0x96: {  	s4 =	sld [smem:$0x3FFD];
	_ =	sdelay $0x3  }
0x97: {  	_ =	strace s4  }
0x98: {  	_ =	strace $0x8FFFFFFF  }
0x99: {  	s19 =	sld [smem:$0x3FDB];
	_ =	sdelay $0x1  }
0x9a: {  	s5 =	simm.s32 $_scs_section_size  }
0x9b: {  	s6 =	simm.s32 $_size__tile_overlayer_lowered;
	s7 =	simm.s32 $_tile_overlayer_lowered  }
0x9c: {  	s22 =	simm.s32 $0x1BFF;
	s21 =	sshll.u32 s7, $0x1;
	s4 =	sadd.s32 s5, s19  }
0x9d: {  	s8 =	simm.s32 $0x0;
	s20 =	sshll.u32 s6, $0x1;
	s6 =	sadd.s32 s21, s4  }
0x9e: {  	[timem:s8], [sflag:s22] =	dma.local [hbm:s6], s20  }
0x9f: {  	_ =	swait.ge [sflag:s22], s20  }
0xa0: {  	s5 =	ssub.s32 $0x0, s20;
	[sflag:s22] =	ssyncset.done $0x0  }
0xa1: {  	[sflag:s22] =	ssyncadd.s32 s5;
	_ =	sdelay $0x1  }
0xa2: {  	s23 =	simm.s32 $0x1B8B  }
0xa3: {  	_ =	swait.ge [sflag:s23], $0x1  }
0xa4: {  	[sflag:s23] =	ssyncset.done $0x0  }
0xa5: {  	s25 =	simm.s32 $0x1B8E;
	s24 =	sld [smem:$0x3FFE];
	[sflag:s23] =	ssyncadd.s32 $0xFFFFFFFF  }
0xa6: {  	s26 =	simm.s32 $execute0_lowered;
	[smem:$0x3FD2] =	sst s25  }
0xa7: {  	s6 =	sshll.u32 s26, $0x1;
	_ =	strace $0x80000046;
	[dreg:$0x1] =	wrdreg $0xFFFFFFFF  }
0xa8: {  	s28 =	simm.s32 $_size_execute0_lowered;
	s4 =	sadd.s32 s4, s6;
	[dreg:$0x0] =	wrdreg $0x0  }
0xa9: {  	s6 =	sshll.u32 s28, $0x1;
	[dreg:$0x2] =	wrdreg s4  }
0xaa: {  	[dreg:$0x3] =	wrdreg s6  }
0xab: {  	[dreg:$0x4] =	wrdreg $0xC0  }
0xac: {  	_ =	task [dreg:s8], $0x5FFFF  }
0xad: {  	[dreg:$0x1] =	wrdreg $0xFFFFFFFF  }
0xae: {  	[dreg:$0x0] =	wrdreg $0x60  }
0xaf: {  	[dreg:$0x2] =	wrdreg s2  }
0xb0: {  	[dreg:$0x3] =	wrdreg s24  }
0xb1: {  	[dreg:$0x4] =	wrdreg s18  }
0xb2: {  	[dreg:$0x5] =	wrdreg $0x13B500  }
0xb3: {  	[dreg:$0x6] =	wrdreg $0x9  }
0xb4: {  	_ =	task.clear_ibuf [dreg:s8], $0x7FFFF;
	_ =	strace $0x90000046  }
0xb5: {  	s29 =	simm.s32 $0x9;
	_ =	strace $0x80000048  }
0xb6: {  	_ =	swait.ge [sflag:s29], $0x1  }
0xb7: {  	[sflag:s29] =	ssyncadd.s32 $0xFFFFFFFF  }
0xb8: {  	_ =	strace $0x90000048  }
0xb9: {  	_ =	sfence  }
0xba: {  	s30 =	sld [smem:$0x0];
	_ =	sdelay $0x2  }
0xbb: {  	s31 =	sshll.u32 s1, $0xD;
	s1 =	sshrl.u32 s1, $0x2  }
0xbc: {  	s3 =	sand.u32 $0x4000, s31;
	s1 =	sadd.s32 s1, s30  }
0xbd: {  	s0 =	sor.u32 s3, s0;
	s1 =	sshll.u32 s1, $0x11  }
0xbe: {  	s0 =	sor.u32 s1, s0  }
0xbf: {  	s0 =	sadd.s32 $0x8F2B, s0  }
0xc0: {  	[sflag:s0] =	ssyncadd.remote.s32 $0x1  }
0xc1: {  	_ =	sfence.sel $0xFFFF  }
0xc2: {  	[dreg:$0x0] =	wrdreg $0xFFFFFFFF;
	(pc) =	sbr.abs _section_cstart, $3  }
0xc3: {  	[dreg:$0x1] =	wrdreg $0xFFFFFFFF  }
0xc4: {  	_ =	task.clear_ibuf [dreg:s8], $0x2FFFF;
	_ =	strace $0x9FFFFFFF  }
0xc5: {  	(tm) =	ssettm $0x7FFFFFFF  }
tec
execute0_lowered:
.L_overlay_start_1:
0x0: {  	(tag) =	ssettag $0x1  }
0x1: {  	s0 =	rddreg [dreg:$0x0]  }
0x2: {  	s1 =	rddreg [dreg:$0x1]  }
0x3: {  	s3 =	rddreg [dreg:$0x2]  }
0x4: {  	s2 =	rddreg [dreg:$0x3];
	s10 =	stileid.u32;
	s6 =	simm.s32 $0x0  }
0x5: {  	s4 =	srdreg.scid;
	s28 =	simm.s32 $0x4;
	s5 =	smul.u32 $0x9C4, s10  }
0x6: {  	s29 =	simm.s32 $0xFF50;
	s30 =	simm.s32 $0xD750;
	s12 =	smul.u32 $0x27000, s10  }
0x7: {  	s31 =	simm.s32 $0xEB50;
	[smem:$0x7FF] =	sst s6;
	s7 =	smul.u32 $0x4E2, s10  }
0x8: {  	s4 =	sand.u32 $0x1, s4;
	s25 =	smul.u32 $0x2700, s10;
	p0 =	sne.s32 s10, $0xF  }
0x9: {  	_ =	strace $0x80000047;
	s8 =	ssub.s32 $0x2, s4;
	s23 =	sshll.u32 s4, $0x3  }
0xa: {  	p1 =	sne.s32 s4, $0x0;
	s9 =	sadd.s32 s5, s1;
	s13 =	sshrl.u32 s8, $0x1  }
0xb: {  	s6 =	sshrl.u32 s12, $0x2;
	s1 =	sadd.s32 s7, s1;
	s3 =	sadd.s32 s3, s23  }
0xc: {  	s7 =	simm.s32 $0x8;
	s15 =	sadd.s32 $0xAC00, s9;
	[dreg:$0xe] =	wrdreg s3  }
0xd: {  	s14 =	ssub.s32 s8, s13;
	s16 =	sadd.s32 $0xE00, s9;
	[dreg:$0x5] =	wrdreg s15  }
0xe: {  	s5 =	sadd.s32 s6, s2;
	s1 =	sadd.s32 $0x14A00, s1;
	[dreg:$0x6] =	wrdreg s16  }
0xf: {  	s6 =	simm.s32 $0x7;
	s17 =	sadd.s32 $0x1400, s5;
	[dreg:$0xf] =	wrdreg s1  }
0x10: {  	s8 =	simm.s32 $0x9;
	s18 =	sadd.s32 $0x2800, s5;
	[dreg:$0x7] =	wrdreg s17  }
0x11: {  	s9 =	simm.s32 $0x0;
	s19 =	sadd.s32 $0x3C00, s5;
	[dreg:$0x8] =	wrdreg s18  }
0x12: {  	s20 =	sadd.s32 $0x5000, s5;
	s21 =	sadd.s32 $0x6400, s5;
	[dreg:$0x9] =	wrdreg s19  }
0x13: {  	s22 =	sadd.s32 $0x7800, s5;
	s24 =	sadd.s32 $0x8C00, s5;
	[dreg:$0xa] =	wrdreg s20  }
0x14: {  	s15 =	sadd.s32 $0x9C000, s2;
	s16 =	sadd.s32 s0, s23;
	[dreg:$0xb] =	wrdreg s21  }
.Ltmp0:
0x15: {  	s26 =	smax.u32 s14, $0x1;
	[dreg:$0xc] =	wrdreg s22;
	(pc) =	sbr.rel .LBB2_1-.Ltmp0, $4  }
0x16: {  	s23 =	simm.s32 $0xE;
	s0 =	sadd.s32 s25, s3;
	[dreg:$0xd] =	wrdreg s24  }
0x17: {  	s3 =	simm.s32 $0xC;
	[dreg:$0x10] =	wrdreg s26;
	s22 =	simm.s32 $0xC350  }
0x18: {  	s24 =	simm.s32 $0xD;
	[dreg:$0x11] =	wrdreg s0;
	s26 =	simm.s32 $0x50  }
0x19: {  	v0 =	vimm.f32 $0.0e+00;
	s0 =	simm.s32 $0x1;
	s20 =	simm.s32 $0x3;
	s21 =	simm.s32 $0xA  }
.LBB2_22:
0x1a: {  	s1 =	simm.s32 $0xB  }
0x1b: {  	_ =	swait.ge [sflag:s1], $0x1400  }
0x1c: {  	[sflag:s1] =	ssyncset.done $0x0  }
0x1d: {  	[sflag:s1] =	ssyncadd.s32 $0xFFFFEC00  }
0x1e: {  	_ =	swait.ge [sflag:s3], $0x1400  }
0x1f: {  	[sflag:s3] =	ssyncset.done $0x0  }
0x20: {  	[sflag:s3] =	ssyncadd.s32 $0xFFFFEC00  }
0x21: {  	_ =	swait.ge [sflag:s6], $0x1400  }
0x22: {  	[sflag:s6] =	ssyncset.done $0x0  }
0x23: {  	[sflag:s6] =	ssyncadd.s32 $0xFFFFEC00  }
0x24: {  	_ =	swait.ge [sflag:s7], $0x1400  }
0x25: {  	[sflag:s7] =	ssyncset.done $0x0  }
0x26: {  	[sflag:s7] =	ssyncadd.s32 $0xFFFFEC00  }
0x27: {  	_ =	swait.ge [sflag:s8], $0x1400  }
0x28: {  	[sflag:s8] =	ssyncset.done $0x0  }
0x29: {  	[sflag:s8] =	ssyncadd.s32 $0xFFFFEC00  }
0x2a: {  	_ =	swait.ge [sflag:s21], $0x1400  }
0x2b: {  	[sflag:s21] =	ssyncset.done $0x0  }
0x2c: {  	s19 =	stileid.u32;
	[sflag:s21] =	ssyncadd.s32 $0xFFFFEC00  }
0x2d: {  	s10 =	sshrl.u32 s5, $0x3;
	s1 =	sshll.u32 s19, $0x6;
	[bflag:$0x0] =	sbarrier.arrive $0xFFFF  }
0x2e: {  	s12 =	simm.s32 $0x10;
	s1 =	sor.u32 $0x1C0E, s1;
	s11 =	rddreg [dreg:$0x11]  }
0x2f: {  	[hbm:s11@s12], [sflag:s1] =	dma.strided [spmem:s10@s7], $0x1380, s0, $0x8   }
0x30: {  	s13 =	simm.s32 @!p0 $0x10;
	s14 =	simm.s32 @!p0 $0x8;
	_ =	swait.ge [sflag:s23], $0x1380  }
0x31: {  	s11 =	sshrl.u32 @!p0 s15, $0x3;
	[sflag:s23] =	ssyncset.done $0x0;
	s10 =	rddreg [dreg:$0xe]  }
0x32: {  	s12 =	simm.s32 @!p0 $0x1;
	[sflag:s23] =	ssyncadd.s32 $0xFFFFEC80;
	s10 =	sadd.s32 @!p0 $0x27000, s10  }
0x33: {  	[hbm:s10@s13], [sflag:s1] =	dma.strided @!p0 [spmem:s11@s14], $0x80, s12, $0x8   }
0x34: {  	s1 =	simm.s32 @!p0 $0xE  }
0x35: {  	_ =	swait.ge @!p0 [sflag:s1], $0x80  }
0x36: {  	[sflag:s1] =	ssyncset.done @!p0 $0x0  }
0x37: {  	s10 =	rddreg [dreg:$0xf];
	[sflag:s1] =	ssyncadd.s32 @!p0 $0xFFFFFF80;
	s1 =	simm.s32 @!p1 $0x0  }
0x38: {  	[hbm4b:s10+s1] =	stream.linear.scatter @!p1 [tilespmem:s1], [sflag:$0xE], $0x2710, $0x38;
	[tilespmem:$0x1D790] =	vst v63  }
0x39: {  	s1 =	simm.s32 @!p1 $0xE  }
0x3a: {  	_ =	swait.ge @!p1 [sflag:s1], $0x2710  }
0x3b: {  	s9 =	sadd.s32 $0x1, s9;
	s25 =	rddreg [dreg:$0x10]  }
0x3c: {  	p2 =	sne.s32 s9, s25  }
.Ltmp1:
0x3d: {  	_ = 	snop;
	(pc) =	sbr.rel @!p2 .LBB2_23-.Ltmp1, $3  }
0x3e: {  	_ =	sdelay $0x1  }
0x3f: {  	[sflag:s1] =	ssyncset.done @!p1 $0x0  }
0x40: {  	[sflag:s1] =	ssyncadd.s32 @!p1 $0xFFFFD8F0  }
.LBB2_1:
0x41: {  	s1 =	simm.s32 $0x0;
	s10 =	rddreg [dreg:$0x5];
	s11 =	simm.s32 $0x2710  }
0x42: {  	[tilespmem:s11], [sflag:$0xD] =	stream.linear.gather [hbm4b:s10+s1], $0x4E20, $0x38;
	[tilespmem:$0x1D790] =	vst v63  }
0x43: {  	s19 =	rddreg [dreg:$0x6];
	s25 =	simm.s32 $0x7530;
	s10 =	simm.s32 $0x0  }
0x44: {  	[tilespmem:s25], [sflag:$0xD] =	stream.linear.gather [hbm4b:s19+s1], $0x4E20, $0x38;
	[tilespmem:$0x1D790] =	vst v63  }
.LBB2_2:
0x45: {  	p2 =	sne.s32 s10, $0x4F00  }
.Ltmp2:
0x46: {  	s11 =	sshra.s32 s10, $0x2;
	(pc) =	sbr.rel @p2 .LBB2_2-.Ltmp2, $4  }
0x47: {  	[tilespmem:s11+$0xC350] =	vst v0  }
0x48: {  	[tilespmem:s11+$0xC360] =	vst v0  }
0x49: {  	[tilespmem:s11+$0xC370] =	vst v0  }
0x4a: {  	s10 =	sadd.s32 $0x100, s10;
	[tilespmem:s11+$0xC380] =	vst v0  }
0x4b: {  	s10 =	simm.s32 $0x40;
	s11 =	simm.s32 $0x0  }
.LBB2_4:
0x4c: {  	p2 =	sne.s32 s10, $0x9C00;
	[tilespmem:s11+$0x0] =	vst v0;
	s11 =	smov.u32 s10;
	s10 =	sadd.s32 $0x40, s10  }
.Ltmp3:
0x4d: {  	(pc) =	sbr.rel @p2 .LBB2_4-.Ltmp3, $2  }
0x4e: {  	_ =	sdelay $0x2  }
0x4f: {  	s11 =	sshra.s32 s11, $0x2  }
0x50: {  	[tilespmem:s11+$0x0] =	vst v0  }
0x51: {  	[spmem:s5] =	stream.linear.scatter [tilespmem:s22], [sflag:$0xE], $0x1400, $0x38;
	[tilespmem:$0x1D790] =	vst v63  }
0x52: {  	_ =	swait.ge [sflag:s23], $0x1400  }
0x53: {  	[sflag:s23] =	ssyncset.done $0x0  }
0x54: {  	s1 =	rddreg [dreg:$0x7];
	[sflag:s23] =	ssyncadd.s32 $0xFFFFEC00  }
0x55: {  	[spmem:s1] =	stream.linear.scatter [tilespmem:s22], [sflag:$0xE], $0x1400, $0x38;
	[tilespmem:$0x1D790] =	vst v63  }
0x56: {  	_ =	swait.ge [sflag:s23], $0x1400  }
0x57: {  	[sflag:s23] =	ssyncset.done $0x0  }
0x58: {  	s13 =	rddreg [dreg:$0x8];
	[sflag:s23] =	ssyncadd.s32 $0xFFFFEC00  }
0x59: {  	[spmem:s13] =	stream.linear.scatter [tilespmem:s22], [sflag:$0xE], $0x1400, $0x38;
	[tilespmem:$0x1D790] =	vst v63  }
0x5a: {  	_ =	swait.ge [sflag:s23], $0x1400  }
0x5b: {  	[sflag:s23] =	ssyncset.done $0x0  }
0x5c: {  	s14 =	rddreg [dreg:$0x9];
	[sflag:s23] =	ssyncadd.s32 $0xFFFFEC00  }
0x5d: {  	[spmem:s14] =	stream.linear.scatter [tilespmem:s22], [sflag:$0xE], $0x1400, $0x38;
	[tilespmem:$0x1D790] =	vst v63  }
0x5e: {  	_ =	swait.ge [sflag:s23], $0x1400  }
0x5f: {  	[sflag:s23] =	ssyncset.done $0x0  }
0x60: {  	s17 =	rddreg [dreg:$0xa];
	[sflag:s23] =	ssyncadd.s32 $0xFFFFEC00  }
0x61: {  	[spmem:s17] =	stream.linear.scatter [tilespmem:s22], [sflag:$0xE], $0x1400, $0x38;
	[tilespmem:$0x1D790] =	vst v63  }
0x62: {  	_ =	swait.ge [sflag:s23], $0x1400  }
0x63: {  	[sflag:s23] =	ssyncset.done $0x0  }
0x64: {  	s18 =	rddreg [dreg:$0xb];
	[sflag:s23] =	ssyncadd.s32 $0xFFFFEC00  }
0x65: {  	[spmem:s18] =	stream.linear.scatter [tilespmem:s22], [sflag:$0xE], $0x1400, $0x38;
	[tilespmem:$0x1D790] =	vst v63  }
0x66: {  	_ =	swait.ge [sflag:s23], $0x1400  }
0x67: {  	[sflag:s23] =	ssyncset.done $0x0  }
0x68: {  	s19 =	rddreg [dreg:$0xc];
	[sflag:s23] =	ssyncadd.s32 $0xFFFFEC00  }
0x69: {  	[spmem:s19] =	stream.linear.scatter [tilespmem:s22], [sflag:$0xE], $0x1400, $0x38;
	[tilespmem:$0x1D790] =	vst v63  }
0x6a: {  	_ =	swait.ge [sflag:s23], $0x1400  }
0x6b: {  	[sflag:s23] =	ssyncset.done $0x0  }
0x6c: {  	s25 =	rddreg [dreg:$0xd];
	[sflag:s23] =	ssyncadd.s32 $0xFFFFEC00  }
0x6d: {  	[spmem:s25] =	stream.linear.scatter [tilespmem:s22], [sflag:$0xE], $0x1000, $0x38;
	[tilespmem:$0x1D790] =	vst v63  }
0x6e: {  	_ =	swait.ge [sflag:s23], $0x1000  }
0x6f: {  	[sflag:s23] =	ssyncset.done $0x0  }
0x70: {  	s10 =	simm.s32 @!p0 $0xC350;
	[sflag:s23] =	ssyncadd.s32 $0xFFFFF000  }
0x71: {  	[spmem:s15] =	stream.linear.scatter @!p0 [tilespmem:s10], [sflag:$0xE], $0x400, $0x38;
	[tilespmem:$0x1D790] =	vst v63  }
0x72: {  	s10 =	simm.s32 @!p0 $0xE  }
0x73: {  	_ =	swait.ge @!p0 [sflag:s10], $0x400  }
0x74: {  	[sflag:s10] =	ssyncset.done @!p0 $0x0  }
0x75: {  	[sflag:s10] =	ssyncadd.s32 @!p0 $0xFFFFFC00  }
0x76: {  	_ =	swait.ge [sflag:s24], $0x4E20  }
0x77: {  	[sflag:s24] =	ssyncset.done $0x0  }
0x78: {  	[sflag:s24] =	ssyncadd.s32 $0xFFFFB1E0  }
.Ltmp4:
0x79: {  	_ =	swait.ge [sflag:s24], $0x4E20;
	(pc) =	sbr.rel .LBB2_6-.Ltmp4, $4  }
0x7a: {  	[sflag:s24] =	ssyncset.done $0x0  }
0x7b: {  	[sflag:s24] =	ssyncadd.s32 $0xFFFFB1E0  }
0x7c: {  	[bflag:$0x0] =	sbarrier.arrive $0xFFFF  }
0x7d: {  	s11 =	simm.s32 $0x1;
	s12 =	simm.s32 $0x0;
	s10 =	simm.s32 $0x0  }
.LBB2_21:
0x7e: {  	s17 =	sadd.s32 $0x2800, s14  }
0x7f: {  	[tilespmem:s29], [sflag:$0x4] =	stream.indirect.gather [hbm4b:s16+s26], $0x40, s17, s26, $0xb8;
	[tilespmem:$0x1D790] =	vst v63  }
0x80: {  	v2 =	vld @!p1 [tilespmem:s13+$0x7620];
	_ =	sdelay $0x7  }
0x81: {  	[tilespmem:v2+s18+$0x0] =	vst.idx.add.f32.msk @!p1 $0xffff, v1  }
0x82: {  	v2 =	vld @!p1 [tilespmem:s13+$0x7630];
	_ =	sdelay $0x7  }
0x83: {  	[tilespmem:v2+s18+$0x0] =	vst.idx.add.f32.msk @!p1 $0xffff, v1  }
0x84: {  	v2 =	vld @!p1 [tilespmem:s13+$0x7640];
	_ =	sdelay $0x7  }
0x85: {  	[tilespmem:v2+s18+$0x0] =	vst.idx.add.f32.msk @!p1 $0xffff, v1  }
0x86: {  	v2 =	vld @!p1 [tilespmem:s13+$0x7650];
	_ =	sdelay $0x7  }
0x87: {  	[tilespmem:v2+s18+$0x0] =	vst.idx.add.f32.msk @!p1 $0xffff, v1  }
0x88: {  	v2 =	vld @!p1 [tilespmem:s13+$0x7660];
	_ =	sdelay $0x7  }
0x89: {  	[tilespmem:v2+s18+$0x0] =	vst.idx.add.f32.msk @!p1 $0xffff, v1  }
0x8a: {  	_ =	swait.ge [sflag:s0], $0x1400  }
0x8b: {  	p2 =	sgt.u32 s12, $0x28;
	[sflag:s0] =	ssyncset.done $0x0  }
0x8c: {  	s19 =	sadd.s32 $0x7530, s14;
	s13 =	simm.s32 @p2 $0x2;
	[sflag:s0] =	ssyncadd.s32 $0xFFFFEC00  }
0x8d: {  	[spmem:s2] =	stream.indirect.scatter.add.f32 [tilespmem:s22], [sflag:$0x7], $0x40, s19, s26, $0xb8;
	[tilespmem:$0x1D790] =	vst v63  }
0x8e: {  	_ =	swait.ge @p2 [sflag:s13], $0x1400  }
0x8f: {  	s17 =	simm.s32 @p2 $0x50;
	[sflag:s13] =	ssyncset.done @p2 $0x0  }
0x90: {  	p3 =	seq.s32 @!p2 s10, $0x0;
	[sflag:s13] =	ssyncadd.s32 @p2 $0xFFFFEC00;
	s13 =	sshra.s32 @p2 s10, $0x2  }
0x91: {  	p4 =	por p3, p2;
	s18 =	simm.s32 @p2 $0xD750;
	s13 =	sadd.s32 @p2 $0x7580, s13  }
0x92: {  	[spmem:s2] =	stream.indirect.scatter.add.f32 @p2 [tilespmem:s18], [sflag:$0x8], $0x40, s13, s17, $0xb8;
	[tilespmem:$0x1D790] =	vst v63  }
0x93: {  	s13 =	simm.s32 @!p4 $0xB  }
0x94: {  	_ =	swait.ge @!p4 [sflag:s13], $0x1400  }
0x95: {  	p3 =	sne.s32 @!p2 s4, $0x0;
	[sflag:s13] =	ssyncset.done @!p4 $0x0  }
0x96: {  	p3 =	por p3, p2;
	[sflag:s13] =	ssyncadd.s32 @!p4 $0xFFFFEC00;
	s13 =	sshra.s32 @!p2 s10, $0x2  }
0x97: {  	s19 =	simm.s32 @!p2 $0x11350;
	s18 =	simm.s32 @!p2 $0x50;
	s17 =	sadd.s32 @!p2 $0x2850, s13  }
0x98: {  	[tilespmem:s19], [sflag:$0x5] =	stream.indirect.gather @!p2 [hbm4b:s16+s18], $0x40, s17, s18, $0xb8;
	[tilespmem:$0x1D790] =	vst v63  }
0x99: {  	s17 =	sshra.s32 @!p3 s10, $0x2  }
0x9a: {  	v1 =	vld @!p3 [tilespmem:s17+$0x7670];
	_ =	sdelay $0x6  }
0x9b: {  	v2 =	vimm.f32 @!p3 $1.000000000e+00;
	s19 =	simm.s32 @!p3 $0x0  }
0x9c: {  	[tilespmem:v1+s19+$0x0] =	vst.idx.add.f32.msk @!p3 $0xffff, v2  }
0x9d: {  	v1 =	vld @!p3 [tilespmem:s17+$0x7680];
	_ =	sdelay $0x7  }
0x9e: {  	[tilespmem:v1+s19+$0x0] =	vst.idx.add.f32.msk @!p3 $0xffff, v2  }
0x9f: {  	v1 =	vld @!p3 [tilespmem:s17+$0x7690];
	_ =	sdelay $0x7  }
0xa0: {  	[tilespmem:v1+s19+$0x0] =	vst.idx.add.f32.msk @!p3 $0xffff, v2  }
0xa1: {  	v1 =	vld @!p3 [tilespmem:s17+$0x76A0];
	_ =	sdelay $0x7  }
0xa2: {  	[tilespmem:v1+s19+$0x0] =	vst.idx.add.f32.msk @!p3 $0xffff, v2  }
0xa3: {  	v1 =	vld @!p3 [tilespmem:s17+$0x76B0];
	_ =	sdelay $0x7  }
0xa4: {  	s25 =	simm.s32 @!p2 $0x2;
	[tilespmem:v1+s19+$0x0] =	vst.idx.add.f32.msk @!p3 $0xffff, v2  }
0xa5: {  	_ =	swait.ge @!p2 [sflag:s25], $0x1400  }
0xa6: {  	[sflag:s25] =	ssyncset.done @!p2 $0x0  }
0xa7: {  	s1 =	simm.s32 @!p2 $0xD750;
	[sflag:s25] =	ssyncadd.s32 @!p2 $0xFFFFEC00;
	s25 =	sadd.s32 @!p2 $0x7580, s13  }
0xa8: {  	[spmem:s2] =	stream.indirect.scatter.add.f32 @!p2 [tilespmem:s1], [sflag:$0x8], $0x40, s25, s18, $0xb8;
	[tilespmem:$0x1D790] =	vst v63  }
0xa9: {  	s1 =	simm.s32 @!p4 $0xC  }
0xaa: {  	_ =	swait.ge @!p4 [sflag:s1], $0x1400  }
0xab: {  	[sflag:s1] =	ssyncset.done @!p4 $0x0  }
0xac: {  	[sflag:s1] =	ssyncadd.s32 @!p4 $0xFFFFEC00;
	s1 =	sadd.s32 @!p2 $0x28A0, s13;
	s13 =	simm.s32 @!p2 $0x12750  }
0xad: {  	[tilespmem:s13], [sflag:$0x6] =	stream.indirect.gather @!p2 [hbm4b:s16+s18], $0x40, s1, s18, $0xb8;
	[tilespmem:$0x1D790] =	vst v63  }
0xae: {  	v1 =	vld @!p3 [tilespmem:s17+$0x76C0];
	_ =	sdelay $0x7  }
0xaf: {  	[tilespmem:v1+s19+$0x0] =	vst.idx.add.f32.msk @!p3 $0xffff, v2  }
0xb0: {  	v1 =	vld @!p3 [tilespmem:s17+$0x76D0];
	_ =	sdelay $0x7  }
0xb1: {  	[tilespmem:v1+s19+$0x0] =	vst.idx.add.f32.msk @!p3 $0xffff, v2  }
0xb2: {  	v1 =	vld @!p3 [tilespmem:s17+$0x76E0];
	_ =	sdelay $0x7  }
0xb3: {  	[tilespmem:v1+s19+$0x0] =	vst.idx.add.f32.msk @!p3 $0xffff, v2  }
0xb4: {  	v1 =	vld @!p3 [tilespmem:s17+$0x76F0];
	_ =	sdelay $0x7  }
0xb5: {  	[tilespmem:v1+s19+$0x0] =	vst.idx.add.f32.msk @!p3 $0xffff, v2  }
0xb6: {  	v1 =	vld @!p3 [tilespmem:s17+$0x7700];
	_ =	sdelay $0x5  }
0xb7: {  	s10 =	sadd.s32 $0x780, s10  }
0xb8: {  	p2 =	sne.s32 s10, $0x14280  }
.Ltmp5:
0xb9: {  	[tilespmem:v1+s19+$0x0] =	vst.idx.add.f32.msk @!p3 $0xffff, v2;
	(pc) =	sbr.rel @!p2 .LBB2_22-.Ltmp5, $4  }
0xba: {  	_ =	swait.ge [sflag:s20], $0x1400  }
0xbb: {  	s12 =	sadd.s32 $0x1, s12;
	[sflag:s20] =	ssyncset.done $0x0  }
0xbc: {  	s11 =	sadd.s32 $0x6, s11;
	s25 =	sadd.s32 $0x75D0, s14;
	[sflag:s20] =	ssyncadd.s32 $0xFFFFEC00  }
0xbd: {  	[spmem:s2] =	stream.indirect.scatter.add.f32 [tilespmem:s31], [sflag:$0x9], $0x40, s25, s26, $0xb8;
	[tilespmem:$0x1D790] =	vst v63  }
.LBB2_6:
0xbe: {  	p2 =	seq.s32 s12, $0x0  }
.Ltmp6:
0xbf: {  	_ = 	snop;
	(pc) =	sbr.rel @p2 .LBB2_9-.Ltmp6, $2  }
0xc0: {  	_ =	sdelay $0x2  }
0xc1: {  	s13 =	sshra.s32 @!p1 s10, $0x2  }
0xc2: {  	p3 =	seq.s32 s12, $0x2A  }
.Ltmp7:
0xc3: {  	_ = 	snop;
	(pc) =	sbr.rel @p3 .LBB2_10-.Ltmp7, $1  }
0xc4: {  	_ =	sdelay $0x3  }
0xc5: {  	_ =	swait.ge [sflag:s6], $0x1400  }
0xc6: {  	[sflag:s6] =	ssyncset.done $0x0  }
0xc7: {  	[sflag:s6] =	ssyncadd.s32 $0xFFFFEC00  }
.LBB2_9:
0xc8: {  	s14 =	sshra.s32 s10, $0x2  }
0xc9: {  	s14 =	sadd.s32 $0x2710, s14  }
0xca: {  	[tilespmem:s22], [sflag:$0x1] =	stream.indirect.gather [hbm4b:s16+s26], $0x40, s14, s26, $0xb8;
	[tilespmem:$0x1D790] =	vst v63  }
0xcb: {  	v1 =	vld @!p1 [tilespmem:s13+$0x7530];
	_ =	sdelay $0x6  }
0xcc: {  	v2 =	vimm.f32 @!p1 $1.000000000e+00;
	s14 =	simm.s32 @!p1 $0x0  }
0xcd: {  	[tilespmem:v1+s14+$0x0] =	vst.idx.add.f32.msk @!p1 $0xffff, v2  }
0xce: {  	v1 =	vld @!p1 [tilespmem:s13+$0x7540];
	_ =	sdelay $0x7  }
0xcf: {  	[tilespmem:v1+s14+$0x0] =	vst.idx.add.f32.msk @!p1 $0xffff, v2  }
0xd0: {  	v1 =	vld @!p1 [tilespmem:s13+$0x7550];
	_ =	sdelay $0x7  }
0xd1: {  	[tilespmem:v1+s14+$0x0] =	vst.idx.add.f32.msk @!p1 $0xffff, v2  }
0xd2: {  	v1 =	vld @!p1 [tilespmem:s13+$0x7560];
	_ =	sdelay $0x7  }
0xd3: {  	[tilespmem:v1+s14+$0x0] =	vst.idx.add.f32.msk @!p1 $0xffff, v2  }
0xd4: {  	v1 =	vld @!p1 [tilespmem:s13+$0x7570];
	_ =	sdelay $0x1  }
0xd5: {  	s18 =	sadd.s32 $0xFFFFFFFB, s11  }
0xd6: {  	p3 =	sgt.u32 s18, $0xF9  }
.Ltmp8:
0xd7: {  	_ = 	snop;
	(pc) =	sbr.rel @p3 .LBB2_11-.Ltmp8, $2  }
0xd8: {  	_ =	sdelay $0x2  }
0xd9: {  	[tilespmem:v1+s14+$0x0] =	vst.idx.add.f32.msk @!p1 $0xffff, v2  }
.LBB2_10:
0xda: {  	_ =	swait.ge [sflag:s28], $0x1400  }
0xdb: {  	s14 =	sshra.s32 s10, $0x2;
	[sflag:s28] =	ssyncset.done $0x0  }
0xdc: {  	s14 =	sadd.s32 $0x7440, s14;
	[sflag:s28] =	ssyncadd.s32 $0xFFFFEC00  }
0xdd: {  	[spmem:s2] =	stream.indirect.scatter.add.f32 [tilespmem:s29], [sflag:$0xA], $0x40, s14, s26, $0xb8;
	[tilespmem:$0x1D790] =	vst v63  }
.LBB2_11:
.Ltmp9:
0xde: {  	(pc) =	sbr.rel @p2 .LBB2_14-.Ltmp9, $1  }
0xdf: {  	_ =	sdelay $0x3  }
0xe0: {  	p3 =	seq.s32 s12, $0x2A  }
.Ltmp10:
0xe1: {  	_ = 	snop;
	(pc) =	sbr.rel @p3 .LBB2_15-.Ltmp10, $1  }
0xe2: {  	_ =	sdelay $0x3  }
0xe3: {  	_ =	swait.ge [sflag:s7], $0x1400  }
0xe4: {  	[sflag:s7] =	ssyncset.done $0x0  }
0xe5: {  	[sflag:s7] =	ssyncadd.s32 $0xFFFFEC00  }
.LBB2_14:
0xe6: {  	s14 =	sshra.s32 s10, $0x2  }
0xe7: {  	s14 =	sadd.s32 $0x2760, s14  }
0xe8: {  	[tilespmem:s30], [sflag:$0x2] =	stream.indirect.gather [hbm4b:s16+s26], $0x40, s14, s26, $0xb8;
	[tilespmem:$0x1D790] =	vst v63  }
0xe9: {  	v1 =	vld @!p1 [tilespmem:s13+$0x7580];
	_ =	sdelay $0x6  }
0xea: {  	v2 =	vimm.f32 @!p1 $1.000000000e+00;
	s14 =	simm.s32 @!p1 $0x0  }
0xeb: {  	[tilespmem:v1+s14+$0x0] =	vst.idx.add.f32.msk @!p1 $0xffff, v2  }
0xec: {  	v1 =	vld @!p1 [tilespmem:s13+$0x7590];
	_ =	sdelay $0x7  }
0xed: {  	[tilespmem:v1+s14+$0x0] =	vst.idx.add.f32.msk @!p1 $0xffff, v2  }
0xee: {  	v1 =	vld @!p1 [tilespmem:s13+$0x75A0];
	_ =	sdelay $0x7  }
0xef: {  	[tilespmem:v1+s14+$0x0] =	vst.idx.add.f32.msk @!p1 $0xffff, v2  }
0xf0: {  	v1 =	vld @!p1 [tilespmem:s13+$0x75B0];
	_ =	sdelay $0x7  }
0xf1: {  	[tilespmem:v1+s14+$0x0] =	vst.idx.add.f32.msk @!p1 $0xffff, v2  }
0xf2: {  	v1 =	vld @!p1 [tilespmem:s13+$0x75C0];
	_ =	sdelay $0x7  }
0xf3: {  	[tilespmem:v1+s14+$0x0] =	vst.idx.add.f32.msk @!p1 $0xffff, v2  }
.LBB2_15:
0xf4: {  	p3 =	seq.s32 s10, $0x0  }
0xf5: {  	p4 =	sgt.u32 @!p3 s11, $0xFC  }
0xf6: {  	p3 =	por p4, p3  }
0xf7: {  	s14 =	simm.s32 @!p3 $0x5  }
.Ltmp11:
0xf8: {  	_ =	swait.ge @!p3 [sflag:s14], $0x1400;
	(pc) =	sbr.rel @p2 .LBB2_18-.Ltmp11, $4  }
0xf9: {  	[sflag:s14] =	ssyncset.done @!p3 $0x0  }
0xfa: {  	[sflag:s14] =	ssyncadd.s32 @!p3 $0xFFFFEC00;
	s14 =	sshra.s32 @!p3 s10, $0x2  }
0xfb: {  	s18 =	simm.s32 @!p3 $0x50;
	s19 =	simm.s32 @!p3 $0x11350;
	s14 =	sadd.s32 @!p3 $0x7490, s14  }
0xfc: {  	[spmem:s2] =	stream.indirect.scatter.add.f32 @!p3 [tilespmem:s19], [sflag:$0xB], $0x40, s14, s18, $0xb8;
	[tilespmem:$0x1D790] =	vst v63  }
0xfd: {  	p3 =	seq.s32 s12, $0x2A  }
.Ltmp12:
0xfe: {  	_ = 	snop;
	(pc) =	sbr.rel @p3 .LBB2_22-.Ltmp12, $1  }
0xff: {  	_ =	sdelay $0x3  }
0x100: {  	_ =	swait.ge [sflag:s8], $0x1400  }
0x101: {  	[sflag:s8] =	ssyncset.done $0x0  }
0x102: {  	[sflag:s8] =	ssyncadd.s32 $0xFFFFEC00  }
.LBB2_18:
0x103: {  	s14 =	sshra.s32 s10, $0x2  }
0x104: {  	s18 =	sadd.s32 $0x27B0, s14  }
0x105: {  	[tilespmem:s31], [sflag:$0x3] =	stream.indirect.gather [hbm4b:s16+s26], $0x40, s18, s26, $0xb8;
	[tilespmem:$0x1D790] =	vst v63  }
0x106: {  	v2 =	vld @!p1 [tilespmem:s13+$0x75D0];
	_ =	sdelay $0x6  }
0x107: {  	v1 =	vimm.f32 @!p1 $1.000000000e+00;
	s18 =	simm.s32 @!p1 $0x0  }
0x108: {  	[tilespmem:v2+s18+$0x0] =	vst.idx.add.f32.msk @!p1 $0xffff, v1  }
0x109: {  	v2 =	vld @!p1 [tilespmem:s13+$0x75E0];
	_ =	sdelay $0x7  }
0x10a: {  	[tilespmem:v2+s18+$0x0] =	vst.idx.add.f32.msk @!p1 $0xffff, v1  }
0x10b: {  	v2 =	vld @!p1 [tilespmem:s13+$0x75F0];
	_ =	sdelay $0x7  }
0x10c: {  	[tilespmem:v2+s18+$0x0] =	vst.idx.add.f32.msk @!p1 $0xffff, v1  }
0x10d: {  	v2 =	vld @!p1 [tilespmem:s13+$0x7600];
	_ =	sdelay $0x7  }
0x10e: {  	[tilespmem:v2+s18+$0x0] =	vst.idx.add.f32.msk @!p1 $0xffff, v1  }
0x10f: {  	v2 =	vld @!p1 [tilespmem:s13+$0x7610];
	_ =	sdelay $0x5  }
0x110: {  	s19 =	sadd.s32 $0xFFFFFFFD, s11  }
0x111: {  	p3 =	sgt.u32 s19, $0xF9  }
0x112: {  	s19 =	simm.s32 @!p3 $0x6;
	[tilespmem:v2+s18+$0x0] =	vst.idx.add.f32.msk @!p1 $0xffff, v1  }
.Ltmp13:
0x113: {  	_ =	swait.ge @!p3 [sflag:s19], $0x1400;
	(pc) =	sbr.rel @p2 .LBB2_21-.Ltmp13, $4  }
0x114: {  	[sflag:s19] =	ssyncset.done @!p3 $0x0  }
0x115: {  	[sflag:s19] =	ssyncadd.s32 @!p3 $0xFFFFEC00;
	s19 =	sshra.s32 @!p3 s10, $0x2  }
0x116: {  	s25 =	simm.s32 @!p3 $0x50;
	s17 =	simm.s32 @!p3 $0x12750;
	s19 =	sadd.s32 @!p3 $0x74E0, s19  }
0x117: {  	[spmem:s2] =	stream.indirect.scatter.add.f32 @!p3 [tilespmem:s17], [sflag:$0xC], $0x40, s19, s25, $0xb8;
	[tilespmem:$0x1D790] =	vst v63  }
0x118: {  	p2 =	seq.s32 s12, $0x2A  }
.Ltmp14:
0x119: {  	_ = 	snop;
	(pc) =	sbr.rel @p2 .LBB2_22-.Ltmp14, $1  }
0x11a: {  	_ =	sdelay $0x3  }
.Ltmp15:
0x11b: {  	(pc) =	sbr.rel .LBB2_21-.Ltmp15, $4  }
0x11c: {  	_ = 	snop  }
0x11d: {  	_ =	swait.ge [sflag:s21], $0x1400  }
0x11e: {  	[sflag:s21] =	ssyncset.done $0x0  }
0x11f: {  	[sflag:s21] =	ssyncadd.s32 $0xFFFFEC00  }
.LBB2_23:
0x120: {  	_ =	sfence.sel $0x180000  }
0x121: {  	[bflag:$0x0] =	sbarrier.arrive $0xFFFF  }
0x122: {  	_ =	strace $0x90000047  }
0x123: {  	s0 =	stileid.u32;
	[bflag:$0x2] =	sbarrier.arrive $0xFFFF  }
0x124: {  	p0 =	sne.s32 s0, $0x0;
	s0 =	rddreg [dreg:$0x4]  }
0x125: {  	s0 =	sadd.s32 @!p0 $0x100000, s0  }
0x126: {  	[sflag:s0] =	ssyncadd.tile.s32 @!p0 $0x1;
	_ =	shalt  }
.Lfunc_end2:
_tile_overlayer_lowered:
.L_overlay_start_2:
0x127: {  	(tag) =	ssettag $0x2  }
0x128: {  	s0 =	rddreg [dreg:$0x0];
	s2 =	stileid.u32  }
0x129: {  	s1 =	rddreg [dreg:$0x1];
	p0 =	sne.s32 s2, $0x0  }
0x12a: {  	s3 =	rddreg [dreg:$0x2];
	[bflag:$0x3] =	sbarrier.arrive $0xFFFF;
	s2 =	simm.s32 @!p0 $0x1C0E  }
0x12b: {  	[timem:s3], [sflag:s2] =	dma.local @!p0 [hbm:s0], s1  }
0x12c: {  	s0 =	simm.s32 @!p0 $0xE  }
0x12d: {  	_ =	swait.ge @!p0 [sflag:s0], s1  }
0x12e: {  	s1 =	ssub.s32 @!p0 $0x0, s1;
	[sflag:s0] =	ssyncset.done @!p0 $0x0  }
0x12f: {  	[sflag:s0] =	ssyncadd.s32 @!p0 s1  }
0x130: {  	[bflag:$0x3] =	sbarrier.arrive $0xFFFF  }
0x131: {  	_ =	shalt  }

</sc_bundles>
